<compile_context>
chip_gen: v7x
topology: tpu7x:2x2x1
jax: 0.10.2.dev20260603
libtpu: 0.0.44.dev20260713+nightly
codegen_flags: <defaults>
</compile_context>

<pallas_src>
import functools

import jax
import jax.numpy as jnp
from jax import lax
from jax.experimental import pallas as pl
from jax.experimental.pallas import tpu as pltpu
from jax.experimental.pallas import tpu_sc as plsc

N = 10000
E = 320000
D = 128

NC = 2
NS = 16
NW = NC * NS
EPT = E // NW
CH = 80
NCHUNK = EPT // CH

ACH = 80
ANCHUNK = 125
N_PAD = 10240
RPT = N_PAD // NS

_MESH = plsc.VectorSubcoreMesh(core_axis_name="c", subcore_axis_name="s")



@functools.partial(
    pl.kernel,
    out_type=jax.ShapeDtypeStruct((NC, N_PAD), jnp.float32),
    mesh=_MESH,
    scratch_types=[
        pltpu.VMEM((NCHUNK, CH), jnp.int32),
        pltpu.VMEM((CH,), jnp.float32),
        pltpu.VMEM_SHARED((N_PAD,), jnp.float32),
    ],
)
def _deg_kernel(dst_hbm, z1_hbm, ones_hbm, out_hbm, idx_v, ones_v, deg_sh):
    c = lax.axis_index("c")
    s = lax.axis_index("s")
    wid = c * NS + s
    pltpu.sync_copy(z1_hbm.at[pl.ds(s * RPT, RPT)],
                    deg_sh.at[pl.ds(s * RPT, RPT)])
    pltpu.sync_copy(dst_hbm.at[wid], idx_v)
    pltpu.sync_copy(ones_hbm, ones_v)
    plsc.subcore_barrier()

    def body(j, carry):
        pltpu.sync_copy(ones_v, deg_sh.at[idx_v.at[j]], add=True)
        return carry

    lax.fori_loop(0, NCHUNK, body, 0)
    plsc.subcore_barrier()
    pltpu.sync_copy(deg_sh.at[pl.ds(s * RPT, RPT)],
                    out_hbm.at[c, pl.ds(s * RPT, RPT)])


@functools.partial(
    pl.kernel,
    out_type=jax.ShapeDtypeStruct((NC, N_PAD, D), jnp.float32),
    mesh=_MESH,
    scratch_types=[
        pltpu.VMEM((ANCHUNK, ACH), jnp.int32),
        pltpu.VMEM((ACH,), jnp.int32),
        pltpu.VMEM((ACH,), jnp.int32),
        pltpu.VMEM((ACH, D), jnp.float32),
        pltpu.VMEM((ACH, D), jnp.float32),
        pltpu.VMEM_SHARED((N_PAD, D), jnp.float32),
        pltpu.SemaphoreType.DMA,
        pltpu.SemaphoreType.DMA,
        pltpu.SemaphoreType.DMA,
        pltpu.SemaphoreType.DMA,
    ],
)
def _agg_kernel(h_hbm, src_hbm, dst_hbm, out_hbm,
                dst_v, src_0, src_1, rows_a, rows_b, acc_sh,
                sem_a, sem_b, sem_s0, sem_s1):
    c = lax.axis_index("c")
    s = lax.axis_index("s")
    wid = c * NS + s

    def zrow(i, carry):
        for k in range(D // 16):
            rows_a[i, pl.ds(k * 16, 16)] = jnp.zeros((16,), jnp.float32)
        return carry

    lax.fori_loop(0, ACH, zrow, 0)
    for t in range(RPT // ACH):
        pltpu.sync_copy(rows_a, acc_sh.at[pl.ds(s * RPT + t * ACH, ACH)])
    pltpu.sync_copy(dst_hbm.at[wid], dst_v)

    def fetch_src(j, buf, sem):
        return pltpu.async_copy(src_hbm.at[wid, j], buf, sem)

    fetch_src(0, src_0, sem_s0)
    fetch_src(1, src_1, sem_s1)
    plsc.subcore_barrier()

    pltpu.make_async_copy(src_hbm.at[wid, 0], src_0, sem_s0).wait()
    pltpu.async_copy(h_hbm.at[src_0], rows_a, sem_a)

    def body(jj, carry):
        j0 = jj * 2
        j1 = j0 + 1
        pltpu.make_async_copy(src_hbm.at[wid, j1], src_1, sem_s1).wait()
        pltpu.async_copy(h_hbm.at[src_1], rows_b, sem_b)
        pltpu.make_async_copy(h_hbm.at[src_0], rows_a, sem_a).wait()

        @pl.when(j0 + 2 < ANCHUNK)
        def _():
            fetch_src(j0 + 2, src_0, sem_s0)

        pltpu.sync_copy(rows_a, acc_sh.at[dst_v.at[j0]], add=True)

        @pl.when(j0 + 2 < ANCHUNK)
        def _():
            pltpu.make_async_copy(src_hbm.at[wid, j0 + 2], src_0,
                                  sem_s0).wait()
            pltpu.async_copy(h_hbm.at[src_0], rows_a, sem_a)

        @pl.when(j1 + 2 < ANCHUNK)
        def _():
            fetch_src(j1 + 2, src_1, sem_s1)

        pltpu.make_async_copy(h_hbm.at[src_1], rows_b, sem_b).wait()
        pltpu.sync_copy(rows_b, acc_sh.at[dst_v.at[j1]], add=True)
        return carry

    lax.fori_loop(0, ANCHUNK // 2, body, 0)
    pltpu.make_async_copy(h_hbm.at[src_0], rows_a, sem_a).wait()
    pltpu.sync_copy(rows_a, acc_sh.at[dst_v.at[ANCHUNK - 1]], add=True)
    plsc.subcore_barrier()
    pltpu.sync_copy(acc_sh.at[pl.ds(s * RPT, RPT)],
                    out_hbm.at[c, pl.ds(s * RPT, RPT)])



BR = 1024
GRID = N_PAD // BR


def _dinv_block(deg_ref, i):
    deg = (deg_ref[0:1, pl.ds(i * BR, BR)]
           + deg_ref[1:2, pl.ds(i * BR, BR)])
    dinv = lax.rsqrt(jnp.maximum(deg, 1.0))
    return jnp.transpose(dinv)


def _tc1_body(deg_ref, x_ref, w_ref, out_ref):
    dinv = _dinv_block(deg_ref, pl.program_id(0))
    out_ref[...] = jnp.dot(x_ref[...], w_ref[...],
                           preferred_element_type=jnp.float32) * dinv


def _tc2_body(deg_ref, p_ref, b_ref, w_ref, out_ref):
    dinv = _dinv_block(deg_ref, pl.program_id(0))
    agg = p_ref[0] + p_ref[1]
    x2 = jnp.maximum(agg * dinv + b_ref[...], 0.0)
    out_ref[...] = jnp.dot(x2, w_ref[...],
                           preferred_element_type=jnp.float32) * dinv


def _tc3_body(deg_ref, p_ref, b_ref, m1_ref, mb1_ref, m2_ref, mb2_ref,
              m3_ref, mb3_ref, out_ref, acc_ref):
    i = pl.program_id(0)
    dinv = _dinv_block(deg_ref, i)
    agg = p_ref[0] + p_ref[1]
    x3 = jnp.maximum(agg * dinv + b_ref[...], 0.0)
    row_ids = lax.broadcasted_iota(jnp.int32, (BR, 1), 0) + i * BR
    x3 = jnp.where(row_ids < N, x3, 0.0)
    part = jnp.sum(x3, axis=0, keepdims=True)

    @pl.when(i == 0)
    def _():
        acc_ref[...] = part

    @pl.when(i > 0)
    def _():
        acc_ref[...] = acc_ref[...] + part

    @pl.when(i == GRID - 1)
    def _():
        pooled = acc_ref[...] * (1.0 / N)
        z = jnp.maximum(jnp.dot(pooled, m1_ref[...],
                                preferred_element_type=jnp.float32)
                        + mb1_ref[...], 0.0)
        z = jnp.maximum(jnp.dot(z, m2_ref[...],
                                preferred_element_type=jnp.float32)
                        + mb2_ref[...], 0.0)
        out_ref[...] = jnp.dot(z, m3_ref[...],
                               preferred_element_type=jnp.float32) + mb3_ref[...]


def _deg_spec():
    return pl.BlockSpec((NC, N_PAD), lambda i: (0, 0))


def _p_spec():
    return pl.BlockSpec((NC, BR, D), lambda i: (0, i, 0))


def _full(shape):
    return pl.BlockSpec(shape, lambda i: tuple(0 for _ in shape))


_tc1 = pl.pallas_call(
    _tc1_body,
    grid=(GRID,),
    in_specs=[_deg_spec(), pl.BlockSpec((BR, D), lambda i: (i, 0)),
              _full((D, D))],
    out_specs=pl.BlockSpec((BR, D), lambda i: (i, 0)),
    out_shape=jax.ShapeDtypeStruct((N_PAD, D), jnp.float32),
)

_tc2 = pl.pallas_call(
    _tc2_body,
    grid=(GRID,),
    in_specs=[_deg_spec(), _p_spec(), _full((1, D)), _full((D, D))],
    out_specs=pl.BlockSpec((BR, D), lambda i: (i, 0)),
    out_shape=jax.ShapeDtypeStruct((N_PAD, D), jnp.float32),
)

_tc3 = pl.pallas_call(
    _tc3_body,
    grid=(GRID,),
    in_specs=[_deg_spec(), _p_spec(), _full((1, D)),
              _full((D, D)), _full((1, D)),
              _full((D, D)), _full((1, D)),
              _full((D, 1)), _full((1, 1))],
    out_specs=_full((1, 1)),
    out_shape=jax.ShapeDtypeStruct((1, 1), jnp.float32),
    scratch_shapes=[pltpu.VMEM((1, D), jnp.float32)],
)


def kernel(x, edge_index, W1, b1, W2, b2, M1, mb1, M2, mb2, M3, mb3):
    dst = edge_index[1].reshape(NW, NCHUNK, CH)
    src_p = edge_index[0].reshape(NW, ANCHUNK, ACH)
    dst_p = edge_index[1].reshape(NW, ANCHUNK, ACH)
    z1 = jnp.zeros((N_PAD,), jnp.float32)

    deg2 = _deg_kernel(dst, z1, jnp.ones((CH,), jnp.float32))

    x_p = jnp.pad(x, ((0, N_PAD - N), (0, 0)))
    h1 = _tc1(deg2, x_p, W1)
    p1 = _agg_kernel(h1, src_p, dst_p)
    h2 = _tc2(deg2, p1, b1.reshape(1, D), W2)
    p2 = _agg_kernel(h2, src_p, dst_p)
    out = _tc3(deg2, p2, b2.reshape(1, D),
               M1, mb1.reshape(1, D), M2, mb2.reshape(1, D),
               M3.reshape(D, 1), mb3.reshape(1, 1))
    return out

# --- scband reference (transcript-rebuilt; emitter-appended) ---
"""Pipeline reference for scband-qin-gnn-52286931861829 (READ-ONLY COPY).

The authoritative reference and input builder live on the scoring server;
editing this copy changes nothing except your own understanding.
"""

import jax, jax.numpy as jnp
import numpy as np

N = 10000
E = 320000
D = 128


def setup_inputs(seed: int = 0) -> dict:
    key = jax.random.key(seed)
    ks = jax.random.split(key, 12)
    x = jax.random.normal(ks[0], (N, D), dtype=jnp.float32)
    edge_index = jax.random.randint(ks[1], (2, E), 0, N, dtype=jnp.int32)
    s = 0.05
    W1 = jax.random.normal(ks[2], (D, D), dtype=jnp.float32) * s
    b1 = jnp.zeros((D,), dtype=jnp.float32)
    W2 = jax.random.normal(ks[3], (D, D), dtype=jnp.float32) * s
    b2 = jnp.zeros((D,), dtype=jnp.float32)
    M1 = jax.random.normal(ks[4], (D, 128), dtype=jnp.float32) * s
    mb1 = jnp.zeros((128,), dtype=jnp.float32)
    M2 = jax.random.normal(ks[5], (128, 128), dtype=jnp.float32) * s
    mb2 = jnp.zeros((128,), dtype=jnp.float32)
    M3 = jax.random.normal(ks[6], (128, 1), dtype=jnp.float32) * s
    mb3 = jnp.zeros((1,), dtype=jnp.float32)
    return {"x": x, "edge_index": edge_index, "W1": W1, "b1": b1, "W2": W2, "b2": b2,
            "M1": M1, "mb1": mb1, "M2": M2, "mb2": mb2, "M3": M3, "mb3": mb3}


def _gcn_layer(x, edge_index, W, b):
    # GCNConv: symmetric-normalized adjacency aggregation + linear + relu
    src = edge_index[0]
    dst = edge_index[1]
    ones = jnp.ones((E,), dtype=jnp.float32)
    deg = jax.ops.segment_sum(ones, dst, num_segments=N)
    deg = jnp.maximum(deg, 1.0)
    dinv = jax.lax.rsqrt(deg)
    norm = dinv[src] * dinv[dst]
    h = x @ W
    msg = jnp.take(h, src, axis=0) * norm[:, None]
    agg = jax.ops.segment_sum(msg, dst, num_segments=N)
    return jax.nn.relu(agg + b)


def reference(x, edge_index, W1, b1, W2, b2, M1, mb1, M2, mb2, M3, mb3):
    h = _gcn_layer(x, edge_index, W1, b1)
    h = _gcn_layer(h, edge_index, W2, b2)
    # GlobalAvgPool over nodes (single graph)
    pooled = jnp.mean(h, axis=0, keepdims=True)
    # output MLP: Dense(128, relu) -> Dense(128, relu) -> Dense(1)
    z = jax.nn.relu(pooled @ M1 + mb1)
    z = jax.nn.relu(z @ M2 + mb2)
    out = z @ M3 + mb3
    return out

if __name__ == "__main__":
    import jax
    _d = setup_inputs()
    print(jax.jit(kernel)(*tuple(_d.values())))

</pallas_src>

<mosaic_0001>
#map = affine_map<(d0, d1) -> (0, 0, 0)>
#map1 = affine_map<(d0, d1) -> (0)>
#map2 = affine_map<(d0, d1) -> (0, 0)>
module attributes {stable_mosaic.version = 14 : i64} {
  func.func @_deg_kernel(%arg0: i32, %arg1: i32, %arg2: memref<32x125x80xi32, #tpu.memory_space<hbm>>, %arg3: memref<10240xf32, #tpu.memory_space<hbm>>, %arg4: memref<80xf32, #tpu.memory_space<hbm>>, %arg5: memref<2x10240xf32, #tpu.memory_space<hbm>>, %arg6: memref<125x80xi32, #tpu.memory_space<vmem>>, %arg7: memref<80xf32, #tpu.memory_space<vmem>>, %arg8: memref<10240xf32, #tpu.memory_space<vmem_shared>>) attributes {dimension_semantics = [#tpu.dimension_semantics<core_parallel>, #tpu.dimension_semantics<subcore_parallel>], iteration_bounds = array<i64: 2, 16>, scalar_prefetch = 0 : i64, scratch_operands = 3 : i64, tpu.core_type = #tpu.core_type<sc_vector_subcore>, window_params = [{transform_indices = #map}, {transform_indices = #map1}, {transform_indices = #map1}, {transform_indices = #map2}]} {
    %mul3A = arith.constant 16 : i32
    %mul3A_0 = arith.muli %arg0, %mul3A : i32
    %add3A = arith.addi %mul3A_0, %arg1 : i32
    %mul3A_1 = arith.constant 640 : i32
    %mul3A_2 = arith.muli %arg1, %mul3A_1 : i32
    %mul3A_3 = arith.constant 640 : i32
    %mul3A_4 = arith.muli %arg1, %mul3A_3 : i32
    "tpu.region"() ({
      %run_scoped3A = tpu.sem_alloc : memref<!tpu.dma_semaphore, #tpu.memory_space<semaphore_mem>>
      %dma_start3A = tpu.memref_slice %arg8[%mul3A_4] : memref<10240xf32, #tpu.memory_space<vmem_shared>> -> memref<640xf32, #tpu.memory_space<vmem_shared>>
      %dma_start3A_15 = tpu.memref_slice %arg3[%mul3A_2] : memref<10240xf32, #tpu.memory_space<hbm>> -> memref<640xf32, #tpu.memory_space<hbm>>
      tpu.enqueue_dma source(%dma_start3A_15 : memref<640xf32, #tpu.memory_space<hbm>>) target(%dma_start3A : memref<640xf32, #tpu.memory_space<vmem_shared>>) target_semaphore(%run_scoped3A : memref<!tpu.dma_semaphore, #tpu.memory_space<semaphore_mem>>)
      %dma_wait3A = tpu.memref_slice %arg8[%mul3A_4] : memref<10240xf32, #tpu.memory_space<vmem_shared>> -> memref<640xf32, #tpu.memory_space<vmem_shared>>
      %dma_wait3A_16 = tpu.memref_slice %arg3[%mul3A_2] : memref<10240xf32, #tpu.memory_space<hbm>> -> memref<640xf32, #tpu.memory_space<hbm>>
      tpu.wait_dma2 semaphore(%run_scoped3A : memref<!tpu.dma_semaphore, #tpu.memory_space<semaphore_mem>>) src(%dma_wait3A_16 : memref<640xf32, #tpu.memory_space<hbm>>) dst(%dma_wait3A : memref<640xf32, #tpu.memory_space<vmem_shared>>)
      tpu.yield
    }) : () -> ()
    "tpu.region"() ({
      %run_scoped3A = tpu.sem_alloc : memref<!tpu.dma_semaphore, #tpu.memory_space<semaphore_mem>>
      %dma_start3A = arith.constant 0 : i32
      %dma_start3A_15 = arith.constant 0 : i32
      %dma_start3A_16 = tpu.memref_slice %arg2[%add3A, %dma_start3A, %dma_start3A_15] : memref<32x125x80xi32, #tpu.memory_space<hbm>> -> memref<1x125x80xi32, #tpu.memory_space<hbm>>
      %dma_start3A_17 = tpu.memref_squeeze %dma_start3A_16 : memref<1x125x80xi32, #tpu.memory_space<hbm>> -> memref<125x80xi32, #tpu.memory_space<hbm>>
      %dma_start3A_18 = arith.constant 0 : i32
      %dma_start3A_19 = arith.constant 0 : i32
      %dma_start3A_20 = tpu.memref_slice %arg2[%add3A, %dma_start3A_18, %dma_start3A_19] : memref<32x125x80xi32, #tpu.memory_space<hbm>> -> memref<1x125x80xi32, #tpu.memory_space<hbm>>
      %dma_start3A_21 = tpu.memref_squeeze %dma_start3A_20 : memref<1x125x80xi32, #tpu.memory_space<hbm>> -> memref<125x80xi32, #tpu.memory_space<hbm>>
      tpu.enqueue_dma source(%dma_start3A_21 : memref<125x80xi32, #tpu.memory_space<hbm>>) target(%arg6 : memref<125x80xi32, #tpu.memory_space<vmem>>) target_semaphore(%run_scoped3A : memref<!tpu.dma_semaphore, #tpu.memory_space<semaphore_mem>>)
      %dma_wait3A = arith.constant 0 : i32
      %dma_wait3A_22 = arith.constant 0 : i32
      %dma_wait3A_23 = tpu.memref_slice %arg2[%add3A, %dma_wait3A, %dma_wait3A_22] : memref<32x125x80xi32, #tpu.memory_space<hbm>> -> memref<1x125x80xi32, #tpu.memory_space<hbm>>
      %dma_wait3A_24 = tpu.memref_squeeze %dma_wait3A_23 : memref<1x125x80xi32, #tpu.memory_space<hbm>> -> memref<125x80xi32, #tpu.memory_space<hbm>>
      %dma_wait3A_25 = arith.constant 0 : i32
      %dma_wait3A_26 = arith.constant 0 : i32
      %dma_wait3A_27 = tpu.memref_slice %arg2[%add3A, %dma_wait3A_25, %dma_wait3A_26] : memref<32x125x80xi32, #tpu.memory_space<hbm>> -> memref<1x125x80xi32, #tpu.memory_space<hbm>>
      %dma_wait3A_28 = tpu.memref_squeeze %dma_wait3A_27 : memref<1x125x80xi32, #tpu.memory_space<hbm>> -> memref<125x80xi32, #tpu.memory_space<hbm>>
      tpu.wait_dma2 semaphore(%run_scoped3A : memref<!tpu.dma_semaphore, #tpu.memory_space<semaphore_mem>>) src(%dma_wait3A_28 : memref<125x80xi32, #tpu.memory_space<hbm>>) dst(%arg6 : memref<125x80xi32, #tpu.memory_space<vmem>>)
      tpu.yield
    }) : () -> ()
    "tpu.region"() ({
      %run_scoped3A = tpu.sem_alloc : memref<!tpu.dma_semaphore, #tpu.memory_space<semaphore_mem>>
      tpu.enqueue_dma source(%arg4 : memref<80xf32, #tpu.memory_space<hbm>>) target(%arg7 : memref<80xf32, #tpu.memory_space<vmem>>) target_semaphore(%run_scoped3A : memref<!tpu.dma_semaphore, #tpu.memory_space<semaphore_mem>>)
      tpu.wait_dma2 semaphore(%run_scoped3A : memref<!tpu.dma_semaphore, #tpu.memory_space<semaphore_mem>>) src(%arg4 : memref<80xf32, #tpu.memory_space<hbm>>) dst(%arg7 : memref<80xf32, #tpu.memory_space<vmem>>)
      tpu.yield
    }) : () -> ()
    %barrier3A = arith.constant 0 : index
    tpu.barrier barrier_id(%barrier3A)
    %scan3A = arith.constant 0 : i32
    %scan3A_5 = arith.constant 0 : i32
    %scan3A_6 = arith.constant 125 : i32
    %scan3A_7 = arith.addi %scan3A_5, %scan3A_6 : i32
    %scan3A_8 = arith.constant 1 : i32
    scf.for %scan3A_15 = %scan3A_5 to %scan3A_7 step %scan3A_8  : i32 {
      "tpu.region"() ({
        %run_scoped3A = tpu.sem_alloc : memref<!tpu.dma_semaphore, #tpu.memory_space<semaphore_mem>>
        %dma_start3A = arith.constant 0 : i32
        %dma_start3A_16 = tpu.memref_slice %arg6[%scan3A_15, %dma_start3A] : memref<125x80xi32, #tpu.memory_space<vmem>> -> memref<1x80xi32, #tpu.memory_space<vmem>>
        %dma_start3A_17 = tpu.memref_squeeze %dma_start3A_16 : memref<1x80xi32, #tpu.memory_space<vmem>> -> memref<80xi32, #tpu.memory_space<vmem>>
        %dma_start3A_18 = arith.constant 0 : i32
        %dma_start3A_19 = tpu.memref_slice %arg8[%dma_start3A_18] : memref<10240xf32, #tpu.memory_space<vmem_shared>> -> memref<10240xf32, #tpu.memory_space<vmem_shared>>
        tpu.enqueue_indirect_dma source(%arg7 : memref<80xf32, #tpu.memory_space<vmem>>) target(%dma_start3A_19 : memref<10240xf32, #tpu.memory_space<vmem_shared>>) offsets(%dma_start3A_17 : memref<80xi32, #tpu.memory_space<vmem>>) semaphore(%run_scoped3A : memref<!tpu.dma_semaphore, #tpu.memory_space<semaphore_mem>>) {add = true}
        %dma_wait3A = arith.constant 0 : i32
        %dma_wait3A_20 = tpu.memref_slice %arg6[%scan3A_15, %dma_wait3A] : memref<125x80xi32, #tpu.memory_space<vmem>> -> memref<1x80xi32, #tpu.memory_space<vmem>>
        %dma_wait3A_21 = tpu.memref_squeeze %dma_wait3A_20 : memref<1x80xi32, #tpu.memory_space<vmem>> -> memref<80xi32, #tpu.memory_space<vmem>>
        %dma_wait3A_22 = arith.constant 0 : i32
        %dma_wait3A_23 = tpu.memref_slice %arg8[%dma_wait3A_22] : memref<10240xf32, #tpu.memory_space<vmem_shared>> -> memref<10240xf32, #tpu.memory_space<vmem_shared>>
        tpu.wait_indirect_dma semaphore(%run_scoped3A : memref<!tpu.dma_semaphore, #tpu.memory_space<semaphore_mem>>) src(%arg7 : memref<80xf32, #tpu.memory_space<vmem>>) dst(%dma_wait3A_23 : memref<10240xf32, #tpu.memory_space<vmem_shared>>)
        tpu.yield
      }) : () -> ()
    }
    %scan3A_9 = arith.constant 125 : i32
    %barrier3A_10 = arith.constant 0 : index
    tpu.barrier barrier_id(%barrier3A_10)
    %mul3A_11 = arith.constant 640 : i32
    %mul3A_12 = arith.muli %arg1, %mul3A_11 : i32
    %mul3A_13 = arith.constant 640 : i32
    %mul3A_14 = arith.muli %arg1, %mul3A_13 : i32
    "tpu.region"() ({
      %run_scoped3A = tpu.sem_alloc : memref<!tpu.dma_semaphore, #tpu.memory_space<semaphore_mem>>
      %dma_start3A = tpu.memref_slice %arg5[%arg0, %mul3A_14] : memref<2x10240xf32, #tpu.memory_space<hbm>> -> memref<1x640xf32, #tpu.memory_space<hbm>>
      %dma_start3A_15 = tpu.memref_squeeze %dma_start3A : memref<1x640xf32, #tpu.memory_space<hbm>> -> memref<640xf32, #tpu.memory_space<hbm>>
      %dma_start3A_16 = tpu.memref_slice %arg8[%mul3A_12] : memref<10240xf32, #tpu.memory_space<vmem_shared>> -> memref<640xf32, #tpu.memory_space<vmem_shared>>
      tpu.enqueue_dma source(%dma_start3A_16 : memref<640xf32, #tpu.memory_space<vmem_shared>>) target(%dma_start3A_15 : memref<640xf32, #tpu.memory_space<hbm>>) target_semaphore(%run_scoped3A : memref<!tpu.dma_semaphore, #tpu.memory_space<semaphore_mem>>)
      %dma_wait3A = tpu.memref_slice %arg5[%arg0, %mul3A_14] : memref<2x10240xf32, #tpu.memory_space<hbm>> -> memref<1x640xf32, #tpu.memory_space<hbm>>
      %dma_wait3A_17 = tpu.memref_squeeze %dma_wait3A : memref<1x640xf32, #tpu.memory_space<hbm>> -> memref<640xf32, #tpu.memory_space<hbm>>
      %dma_wait3A_18 = tpu.memref_slice %arg8[%mul3A_12] : memref<10240xf32, #tpu.memory_space<vmem_shared>> -> memref<640xf32, #tpu.memory_space<vmem_shared>>
      tpu.wait_dma2 semaphore(%run_scoped3A : memref<!tpu.dma_semaphore, #tpu.memory_space<semaphore_mem>>) src(%dma_wait3A_18 : memref<640xf32, #tpu.memory_space<vmem_shared>>) dst(%dma_wait3A_17 : memref<640xf32, #tpu.memory_space<hbm>>)
      tpu.yield
    }) : () -> ()
    return
  }
}

#map = affine_map<(d0, d1) -> (0, 0)>
#map1 = affine_map<(d0, d1) -> (0, 0, 0)>
module attributes {stable_mosaic.version = 14 : i64} {
  func.func @_agg_kernel(%arg0: i32, %arg1: i32, %arg2: memref<10240x128xf32, #tpu.memory_space<hbm>>, %arg3: memref<32x125x80xi32, #tpu.memory_space<hbm>>, %arg4: memref<32x125x80xi32, #tpu.memory_space<hbm>>, %arg5: memref<2x10240x128xf32, #tpu.memory_space<hbm>>, %arg6: memref<125x80xi32, #tpu.memory_space<vmem>>, %arg7: memref<80xi32, #tpu.memory_space<vmem>>, %arg8: memref<80xi32, #tpu.memory_space<vmem>>, %arg9: memref<80x128xf32, #tpu.memory_space<vmem>>, %arg10: memref<80x128xf32, #tpu.memory_space<vmem>>, %arg11: memref<10240x128xf32, #tpu.memory_space<vmem_shared>>, %arg12: memref<!tpu.dma_semaphore, #tpu.memory_space<semaphore_mem>>, %arg13: memref<!tpu.dma_semaphore, #tpu.memory_space<semaphore_mem>>, %arg14: memref<!tpu.dma_semaphore, #tpu.memory_space<semaphore_mem>>, %arg15: memref<!tpu.dma_semaphore, #tpu.memory_space<semaphore_mem>>) attributes {dimension_semantics = [#tpu.dimension_semantics<core_parallel>, #tpu.dimension_semantics<subcore_parallel>], iteration_bounds = array<i64: 2, 16>, scalar_prefetch = 0 : i64, scratch_operands = 10 : i64, tpu.core_type = #tpu.core_type<sc_vector_subcore>, window_params = [{transform_indices = #map}, {transform_indices = #map1}, {transform_indices = #map1}, {transform_indices = #map1}]} {
    %mul3A = arith.constant 16 : i32
    %mul3A_0 = arith.muli %arg0, %mul3A : i32
    %add3A = arith.addi %mul3A_0, %arg1 : i32
    %scan3A = arith.constant 0 : i32
    %scan3A_1 = arith.constant 0 : i32
    %scan3A_2 = arith.constant 80 : i32
    %scan3A_3 = arith.addi %scan3A_1, %scan3A_2 : i32
    %scan3A_4 = arith.constant 1 : i32
    scf.for %scan3A_74 = %scan3A_1 to %scan3A_3 step %scan3A_4  : i32 {
      %broadcast_in_dim3A = arith.constant 0.000000e+00 : f32
      %broadcast_in_dim3A_75 = vector.broadcast %broadcast_in_dim3A : f32 to vector<16xf32>
      %swap3A = arith.index_cast %scan3A_74 : i32 to index
      %swap3A_76 = arith.constant 0 : index
      %swap3A_77 = tpu.vector_load %arg9[%swap3A, %swap3A_76] {strides = array<i32>} : memref<80x128xf32, #tpu.memory_space<vmem>>, vector<1x16xf32>,
      %swap3A_78 = vector.shape_cast %swap3A_77 : vector<1x16xf32> to vector<16xf32>
      %swap3A_79 = vector.shape_cast %broadcast_in_dim3A_75 : vector<16xf32> to vector<1x16xf32>
      tpu.vector_store %arg9[%swap3A, %swap3A_76], %swap3A_79 {strides = array<i32>} : memref<80x128xf32, #tpu.memory_space<vmem>>, vector<1x16xf32>,
      %broadcast_in_dim3A_80 = arith.constant 0.000000e+00 : f32
      %broadcast_in_dim3A_81 = vector.broadcast %broadcast_in_dim3A_80 : f32 to vector<16xf32>
      %swap3A_82 = arith.index_cast %scan3A_74 : i32 to index
      %swap3A_83 = arith.constant 16 : index
      %swap3A_84 = tpu.vector_load %arg9[%swap3A_82, %swap3A_83] {strides = array<i32>} : memref<80x128xf32, #tpu.memory_space<vmem>>, vector<1x16xf32>,
      %swap3A_85 = vector.shape_cast %swap3A_84 : vector<1x16xf32> to vector<16xf32>
      %swap3A_86 = vector.shape_cast %broadcast_in_dim3A_81 : vector<16xf32> to vector<1x16xf32>
      tpu.vector_store %arg9[%swap3A_82, %swap3A_83], %swap3A_86 {strides = array<i32>} : memref<80x128xf32, #tpu.memory_space<vmem>>, vector<1x16xf32>,
      %broadcast_in_dim3A_87 = arith.constant 0.000000e+00 : f32
      %broadcast_in_dim3A_88 = vector.broadcast %broadcast_in_dim3A_87 : f32 to vector<16xf32>
      %swap3A_89 = arith.index_cast %scan3A_74 : i32 to index
      %swap3A_90 = arith.constant 32 : index
      %swap3A_91 = tpu.vector_load %arg9[%swap3A_89, %swap3A_90] {strides = array<i32>} : memref<80x128xf32, #tpu.memory_space<vmem>>, vector<1x16xf32>,
      %swap3A_92 = vector.shape_cast %swap3A_91 : vector<1x16xf32> to vector<16xf32>
      %swap3A_93 = vector.shape_cast %broadcast_in_dim3A_88 : vector<16xf32> to vector<1x16xf32>
      tpu.vector_store %arg9[%swap3A_89, %swap3A_90], %swap3A_93 {strides = array<i32>} : memref<80x128xf32, #tpu.memory_space<vmem>>, vector<1x16xf32>,
      %broadcast_in_dim3A_94 = arith.constant 0.000000e+00 : f32
      %broadcast_in_dim3A_95 = vector.broadcast %broadcast_in_dim3A_94 : f32 to vector<16xf32>
      %swap3A_96 = arith.index_cast %scan3A_74 : i32 to index
      %swap3A_97 = arith.constant 48 : index
      %swap3A_98 = tpu.vector_load %arg9[%swap3A_96, %swap3A_97] {strides = array<i32>} : memref<80x128xf32, #tpu.memory_space<vmem>>, vector<1x16xf32>,
      %swap3A_99 = vector.shape_cast %swap3A_98 : vector<1x16xf32> to vector<16xf32>
      %swap3A_100 = vector.shape_cast %broadcast_in_dim3A_95 : vector<16xf32> to vector<1x16xf32>
      tpu.vector_store %arg9[%swap3A_96, %swap3A_97], %swap3A_100 {strides = array<i32>} : memref<80x128xf32, #tpu.memory_space<vmem>>, vector<1x16xf32>,
      %broadcast_in_dim3A_101 = arith.constant 0.000000e+00 : f32
      %broadcast_in_dim3A_102 = vector.broadcast %broadcast_in_dim3A_101 : f32 to vector<16xf32>
      %swap3A_103 = arith.index_cast %scan3A_74 : i32 to index
      %swap3A_104 = arith.constant 64 : index
      %swap3A_105 = tpu.vector_load %arg9[%swap3A_103, %swap3A_104] {strides = array<i32>} : memref<80x128xf32, #tpu.memory_space<vmem>>, vector<1x16xf32>,
      %swap3A_106 = vector.shape_cast %swap3A_105 : vector<1x16xf32> to vector<16xf32>
      %swap3A_107 = vector.shape_cast %broadcast_in_dim3A_102 : vector<16xf32> to vector<1x16xf32>
      tpu.vector_store %arg9[%swap3A_103, %swap3A_104], %swap3A_107 {strides = array<i32>} : memref<80x128xf32, #tpu.memory_space<vmem>>, vector<1x16xf32>,
      %broadcast_in_dim3A_108 = arith.constant 0.000000e+00 : f32
      %broadcast_in_dim3A_109 = vector.broadcast %broadcast_in_dim3A_108 : f32 to vector<16xf32>
      %swap3A_110 = arith.index_cast %scan3A_74 : i32 to index
      %swap3A_111 = arith.constant 80 : index
      %swap3A_112 = tpu.vector_load %arg9[%swap3A_110, %swap3A_111] {strides = array<i32>} : memref<80x128xf32, #tpu.memory_space<vmem>>, vector<1x16xf32>,
      %swap3A_113 = vector.shape_cast %swap3A_112 : vector<1x16xf32> to vector<16xf32>
      %swap3A_114 = vector.shape_cast %broadcast_in_dim3A_109 : vector<16xf32> to vector<1x16xf32>
      tpu.vector_store %arg9[%swap3A_110, %swap3A_111], %swap3A_114 {strides = array<i32>} : memref<80x128xf32, #tpu.memory_space<vmem>>, vector<1x16xf32>,
      %broadcast_in_dim3A_115 = arith.constant 0.000000e+00 : f32
      %broadcast_in_dim3A_116 = vector.broadcast %broadcast_in_dim3A_115 : f32 to vector<16xf32>
      %swap3A_117 = arith.index_cast %scan3A_74 : i32 to index
      %swap3A_118 = arith.constant 96 : index
      %swap3A_119 = tpu.vector_load %arg9[%swap3A_117, %swap3A_118] {strides = array<i32>} : memref<80x128xf32, #tpu.memory_space<vmem>>, vector<1x16xf32>,
      %swap3A_120 = vector.shape_cast %swap3A_119 : vector<1x16xf32> to vector<16xf32>
      %swap3A_121 = vector.shape_cast %broadcast_in_dim3A_116 : vector<16xf32> to vector<1x16xf32>
      tpu.vector_store %arg9[%swap3A_117, %swap3A_118], %swap3A_121 {strides = array<i32>} : memref<80x128xf32, #tpu.memory_space<vmem>>, vector<1x16xf32>,
      %broadcast_in_dim3A_122 = arith.constant 0.000000e+00 : f32
      %broadcast_in_dim3A_123 = vector.broadcast %broadcast_in_dim3A_122 : f32 to vector<16xf32>
      %swap3A_124 = arith.index_cast %scan3A_74 : i32 to index
      %swap3A_125 = arith.constant 112 : index
      %swap3A_126 = tpu.vector_load %arg9[%swap3A_124, %swap3A_125] {strides = array<i32>} : memref<80x128xf32, #tpu.memory_space<vmem>>, vector<1x16xf32>,
      %swap3A_127 = vector.shape_cast %swap3A_126 : vector<1x16xf32> to vector<16xf32>
      %swap3A_128 = vector.shape_cast %broadcast_in_dim3A_123 : vector<16xf32> to vector<1x16xf32>
      tpu.vector_store %arg9[%swap3A_124, %swap3A_125], %swap3A_128 {strides = array<i32>} : memref<80x128xf32, #tpu.memory_space<vmem>>, vector<1x16xf32>,
    }
    %scan3A_5 = arith.constant 80 : i32
    %mul3A_6 = arith.constant 640 : i32
    %mul3A_7 = arith.muli %arg1, %mul3A_6 : i32
    %add3A_8 = arith.constant 0 : i32
    %add3A_9 = arith.addi %mul3A_7, %add3A_8 : i32
    "tpu.region"() ({
      %run_scoped3A_74 = tpu.sem_alloc : memref<!tpu.dma_semaphore, #tpu.memory_space<semaphore_mem>>
      %dma_start3A_75 = arith.constant 0 : i32
      %dma_start3A_76 = tpu.memref_slice %arg11[%add3A_9, %dma_start3A_75] : memref<10240x128xf32, #tpu.memory_space<vmem_shared>> -> memref<80x128xf32, #tpu.memory_space<vmem_shared>>
      %dma_start3A_77 = arith.constant 0 : i32
      %dma_start3A_78 = tpu.memref_slice %arg11[%add3A_9, %dma_start3A_77] : memref<10240x128xf32, #tpu.memory_space<vmem_shared>> -> memref<80x128xf32, #tpu.memory_space<vmem_shared>>
      tpu.enqueue_dma source(%arg9 : memref<80x128xf32, #tpu.memory_space<vmem>>) target(%dma_start3A_78 : memref<80x128xf32, #tpu.memory_space<vmem_shared>>) target_semaphore(%run_scoped3A_74 : memref<!tpu.dma_semaphore, #tpu.memory_space<semaphore_mem>>)
      %dma_wait3A_79 = arith.constant 0 : i32
      %dma_wait3A_80 = tpu.memref_slice %arg11[%add3A_9, %dma_wait3A_79] : memref<10240x128xf32, #tpu.memory_space<vmem_shared>> -> memref<80x128xf32, #tpu.memory_space<vmem_shared>>
      %dma_wait3A_81 = arith.constant 0 : i32
      %dma_wait3A_82 = tpu.memref_slice %arg11[%add3A_9, %dma_wait3A_81] : memref<10240x128xf32, #tpu.memory_space<vmem_shared>> -> memref<80x128xf32, #tpu.memory_space<vmem_shared>>
      tpu.wait_dma2 semaphore(%run_scoped3A_74 : memref<!tpu.dma_semaphore, #tpu.memory_space<semaphore_mem>>) src(%arg9 : memref<80x128xf32, #tpu.memory_space<vmem>>) dst(%dma_wait3A_82 : memref<80x128xf32, #tpu.memory_space<vmem_shared>>)
      tpu.yield
    }) : () -> ()
    %mul3A_10 = arith.constant 640 : i32
    %mul3A_11 = arith.muli %arg1, %mul3A_10 : i32
    %add3A_12 = arith.constant 80 : i32
    %add3A_13 = arith.addi %mul3A_11, %add3A_12 : i32
    "tpu.region"() ({
      %run_scoped3A_74 = tpu.sem_alloc : memref<!tpu.dma_semaphore, #tpu.memory_space<semaphore_mem>>
      %dma_start3A_75 = arith.constant 0 : i32
      %dma_start3A_76 = tpu.memref_slice %arg11[%add3A_13, %dma_start3A_75] : memref<10240x128xf32, #tpu.memory_space<vmem_shared>> -> memref<80x128xf32, #tpu.memory_space<vmem_shared>>
      %dma_start3A_77 = arith.constant 0 : i32
      %dma_start3A_78 = tpu.memref_slice %arg11[%add3A_13, %dma_start3A_77] : memref<10240x128xf32, #tpu.memory_space<vmem_shared>> -> memref<80x128xf32, #tpu.memory_space<vmem_shared>>
      tpu.enqueue_dma source(%arg9 : memref<80x128xf32, #tpu.memory_space<vmem>>) target(%dma_start3A_78 : memref<80x128xf32, #tpu.memory_space<vmem_shared>>) target_semaphore(%run_scoped3A_74 : memref<!tpu.dma_semaphore, #tpu.memory_space<semaphore_mem>>)
      %dma_wait3A_79 = arith.constant 0 : i32
      %dma_wait3A_80 = tpu.memref_slice %arg11[%add3A_13, %dma_wait3A_79] : memref<10240x128xf32, #tpu.memory_space<vmem_shared>> -> memref<80x128xf32, #tpu.memory_space<vmem_shared>>
      %dma_wait3A_81 = arith.constant 0 : i32
      %dma_wait3A_82 = tpu.memref_slice %arg11[%add3A_13, %dma_wait3A_81] : memref<10240x128xf32, #tpu.memory_space<vmem_shared>> -> memref<80x128xf32, #tpu.memory_space<vmem_shared>>
      tpu.wait_dma2 semaphore(%run_scoped3A_74 : memref<!tpu.dma_semaphore, #tpu.memory_space<semaphore_mem>>) src(%arg9 : memref<80x128xf32, #tpu.memory_space<vmem>>) dst(%dma_wait3A_82 : memref<80x128xf32, #tpu.memory_space<vmem_shared>>)
      tpu.yield
    }) : () -> ()
    %mul3A_14 = arith.constant 640 : i32
    %mul3A_15 = arith.muli %arg1, %mul3A_14 : i32
    %add3A_16 = arith.constant 160 : i32
    %add3A_17 = arith.addi %mul3A_15, %add3A_16 : i32
    "tpu.region"() ({
      %run_scoped3A_74 = tpu.sem_alloc : memref<!tpu.dma_semaphore, #tpu.memory_space<semaphore_mem>>
      %dma_start3A_75 = arith.constant 0 : i32
      %dma_start3A_76 = tpu.memref_slice %arg11[%add3A_17, %dma_start3A_75] : memref<10240x128xf32, #tpu.memory_space<vmem_shared>> -> memref<80x128xf32, #tpu.memory_space<vmem_shared>>
      %dma_start3A_77 = arith.constant 0 : i32
      %dma_start3A_78 = tpu.memref_slice %arg11[%add3A_17, %dma_start3A_77] : memref<10240x128xf32, #tpu.memory_space<vmem_shared>> -> memref<80x128xf32, #tpu.memory_space<vmem_shared>>
      tpu.enqueue_dma source(%arg9 : memref<80x128xf32, #tpu.memory_space<vmem>>) target(%dma_start3A_78 : memref<80x128xf32, #tpu.memory_space<vmem_shared>>) target_semaphore(%run_scoped3A_74 : memref<!tpu.dma_semaphore, #tpu.memory_space<semaphore_mem>>)
      %dma_wait3A_79 = arith.constant 0 : i32
      %dma_wait3A_80 = tpu.memref_slice %arg11[%add3A_17, %dma_wait3A_79] : memref<10240x128xf32, #tpu.memory_space<vmem_shared>> -> memref<80x128xf32, #tpu.memory_space<vmem_shared>>
      %dma_wait3A_81 = arith.constant 0 : i32
      %dma_wait3A_82 = tpu.memref_slice %arg11[%add3A_17, %dma_wait3A_81] : memref<10240x128xf32, #tpu.memory_space<vmem_shared>> -> memref<80x128xf32, #tpu.memory_space<vmem_shared>>
      tpu.wait_dma2 semaphore(%run_scoped3A_74 : memref<!tpu.dma_semaphore, #tpu.memory_space<semaphore_mem>>) src(%arg9 : memref<80x128xf32, #tpu.memory_space<vmem>>) dst(%dma_wait3A_82 : memref<80x128xf32, #tpu.memory_space<vmem_shared>>)
      tpu.yield
    }) : () -> ()
    %mul3A_18 = arith.constant 640 : i32
    %mul3A_19 = arith.muli %arg1, %mul3A_18 : i32
    %add3A_20 = arith.constant 240 : i32
    %add3A_21 = arith.addi %mul3A_19, %add3A_20 : i32
    "tpu.region"() ({
      %run_scoped3A_74 = tpu.sem_alloc : memref<!tpu.dma_semaphore, #tpu.memory_space<semaphore_mem>>
      %dma_start3A_75 = arith.constant 0 : i32
      %dma_start3A_76 = tpu.memref_slice %arg11[%add3A_21, %dma_start3A_75] : memref<10240x128xf32, #tpu.memory_space<vmem_shared>> -> memref<80x128xf32, #tpu.memory_space<vmem_shared>>
      %dma_start3A_77 = arith.constant 0 : i32
      %dma_start3A_78 = tpu.memref_slice %arg11[%add3A_21, %dma_start3A_77] : memref<10240x128xf32, #tpu.memory_space<vmem_shared>> -> memref<80x128xf32, #tpu.memory_space<vmem_shared>>
      tpu.enqueue_dma source(%arg9 : memref<80x128xf32, #tpu.memory_space<vmem>>) target(%dma_start3A_78 : memref<80x128xf32, #tpu.memory_space<vmem_shared>>) target_semaphore(%run_scoped3A_74 : memref<!tpu.dma_semaphore, #tpu.memory_space<semaphore_mem>>)
      %dma_wait3A_79 = arith.constant 0 : i32
      %dma_wait3A_80 = tpu.memref_slice %arg11[%add3A_21, %dma_wait3A_79] : memref<10240x128xf32, #tpu.memory_space<vmem_shared>> -> memref<80x128xf32, #tpu.memory_space<vmem_shared>>
      %dma_wait3A_81 = arith.constant 0 : i32
      %dma_wait3A_82 = tpu.memref_slice %arg11[%add3A_21, %dma_wait3A_81] : memref<10240x128xf32, #tpu.memory_space<vmem_shared>> -> memref<80x128xf32, #tpu.memory_space<vmem_shared>>
      tpu.wait_dma2 semaphore(%run_scoped3A_74 : memref<!tpu.dma_semaphore, #tpu.memory_space<semaphore_mem>>) src(%arg9 : memref<80x128xf32, #tpu.memory_space<vmem>>) dst(%dma_wait3A_82 : memref<80x128xf32, #tpu.memory_space<vmem_shared>>)
      tpu.yield
    }) : () -> ()
    %mul3A_22 = arith.constant 640 : i32
    %mul3A_23 = arith.muli %arg1, %mul3A_22 : i32
    %add3A_24 = arith.constant 320 : i32
    %add3A_25 = arith.addi %mul3A_23, %add3A_24 : i32
    "tpu.region"() ({
      %run_scoped3A_74 = tpu.sem_alloc : memref<!tpu.dma_semaphore, #tpu.memory_space<semaphore_mem>>
      %dma_start3A_75 = arith.constant 0 : i32
      %dma_start3A_76 = tpu.memref_slice %arg11[%add3A_25, %dma_start3A_75] : memref<10240x128xf32, #tpu.memory_space<vmem_shared>> -> memref<80x128xf32, #tpu.memory_space<vmem_shared>>
      %dma_start3A_77 = arith.constant 0 : i32
      %dma_start3A_78 = tpu.memref_slice %arg11[%add3A_25, %dma_start3A_77] : memref<10240x128xf32, #tpu.memory_space<vmem_shared>> -> memref<80x128xf32, #tpu.memory_space<vmem_shared>>
      tpu.enqueue_dma source(%arg9 : memref<80x128xf32, #tpu.memory_space<vmem>>) target(%dma_start3A_78 : memref<80x128xf32, #tpu.memory_space<vmem_shared>>) target_semaphore(%run_scoped3A_74 : memref<!tpu.dma_semaphore, #tpu.memory_space<semaphore_mem>>)
      %dma_wait3A_79 = arith.constant 0 : i32
      %dma_wait3A_80 = tpu.memref_slice %arg11[%add3A_25, %dma_wait3A_79] : memref<10240x128xf32, #tpu.memory_space<vmem_shared>> -> memref<80x128xf32, #tpu.memory_space<vmem_shared>>
      %dma_wait3A_81 = arith.constant 0 : i32
      %dma_wait3A_82 = tpu.memref_slice %arg11[%add3A_25, %dma_wait3A_81] : memref<10240x128xf32, #tpu.memory_space<vmem_shared>> -> memref<80x128xf32, #tpu.memory_space<vmem_shared>>
      tpu.wait_dma2 semaphore(%run_scoped3A_74 : memref<!tpu.dma_semaphore, #tpu.memory_space<semaphore_mem>>) src(%arg9 : memref<80x128xf32, #tpu.memory_space<vmem>>) dst(%dma_wait3A_82 : memref<80x128xf32, #tpu.memory_space<vmem_shared>>)
      tpu.yield
    }) : () -> ()
    %mul3A_26 = arith.constant 640 : i32
    %mul3A_27 = arith.muli %arg1, %mul3A_26 : i32
    %add3A_28 = arith.constant 400 : i32
    %add3A_29 = arith.addi %mul3A_27, %add3A_28 : i32
    "tpu.region"() ({
      %run_scoped3A_74 = tpu.sem_alloc : memref<!tpu.dma_semaphore, #tpu.memory_space<semaphore_mem>>
      %dma_start3A_75 = arith.constant 0 : i32
      %dma_start3A_76 = tpu.memref_slice %arg11[%add3A_29, %dma_start3A_75] : memref<10240x128xf32, #tpu.memory_space<vmem_shared>> -> memref<80x128xf32, #tpu.memory_space<vmem_shared>>
      %dma_start3A_77 = arith.constant 0 : i32
      %dma_start3A_78 = tpu.memref_slice %arg11[%add3A_29, %dma_start3A_77] : memref<10240x128xf32, #tpu.memory_space<vmem_shared>> -> memref<80x128xf32, #tpu.memory_space<vmem_shared>>
      tpu.enqueue_dma source(%arg9 : memref<80x128xf32, #tpu.memory_space<vmem>>) target(%dma_start3A_78 : memref<80x128xf32, #tpu.memory_space<vmem_shared>>) target_semaphore(%run_scoped3A_74 : memref<!tpu.dma_semaphore, #tpu.memory_space<semaphore_mem>>)
      %dma_wait3A_79 = arith.constant 0 : i32
      %dma_wait3A_80 = tpu.memref_slice %arg11[%add3A_29, %dma_wait3A_79] : memref<10240x128xf32, #tpu.memory_space<vmem_shared>> -> memref<80x128xf32, #tpu.memory_space<vmem_shared>>
      %dma_wait3A_81 = arith.constant 0 : i32
      %dma_wait3A_82 = tpu.memref_slice %arg11[%add3A_29, %dma_wait3A_81] : memref<10240x128xf32, #tpu.memory_space<vmem_shared>> -> memref<80x128xf32, #tpu.memory_space<vmem_shared>>
      tpu.wait_dma2 semaphore(%run_scoped3A_74 : memref<!tpu.dma_semaphore, #tpu.memory_space<semaphore_mem>>) src(%arg9 : memref<80x128xf32, #tpu.memory_space<vmem>>) dst(%dma_wait3A_82 : memref<80x128xf32, #tpu.memory_space<vmem_shared>>)
      tpu.yield
    }) : () -> ()
    %mul3A_30 = arith.constant 640 : i32
    %mul3A_31 = arith.muli %arg1, %mul3A_30 : i32
    %add3A_32 = arith.constant 480 : i32
    %add3A_33 = arith.addi %mul3A_31, %add3A_32 : i32
    "tpu.region"() ({
      %run_scoped3A_74 = tpu.sem_alloc : memref<!tpu.dma_semaphore, #tpu.memory_space<semaphore_mem>>
      %dma_start3A_75 = arith.constant 0 : i32
      %dma_start3A_76 = tpu.memref_slice %arg11[%add3A_33, %dma_start3A_75] : memref<10240x128xf32, #tpu.memory_space<vmem_shared>> -> memref<80x128xf32, #tpu.memory_space<vmem_shared>>
      %dma_start3A_77 = arith.constant 0 : i32
      %dma_start3A_78 = tpu.memref_slice %arg11[%add3A_33, %dma_start3A_77] : memref<10240x128xf32, #tpu.memory_space<vmem_shared>> -> memref<80x128xf32, #tpu.memory_space<vmem_shared>>
      tpu.enqueue_dma source(%arg9 : memref<80x128xf32, #tpu.memory_space<vmem>>) target(%dma_start3A_78 : memref<80x128xf32, #tpu.memory_space<vmem_shared>>) target_semaphore(%run_scoped3A_74 : memref<!tpu.dma_semaphore, #tpu.memory_space<semaphore_mem>>)
      %dma_wait3A_79 = arith.constant 0 : i32
      %dma_wait3A_80 = tpu.memref_slice %arg11[%add3A_33, %dma_wait3A_79] : memref<10240x128xf32, #tpu.memory_space<vmem_shared>> -> memref<80x128xf32, #tpu.memory_space<vmem_shared>>
      %dma_wait3A_81 = arith.constant 0 : i32
      %dma_wait3A_82 = tpu.memref_slice %arg11[%add3A_33, %dma_wait3A_81] : memref<10240x128xf32, #tpu.memory_space<vmem_shared>> -> memref<80x128xf32, #tpu.memory_space<vmem_shared>>
      tpu.wait_dma2 semaphore(%run_scoped3A_74 : memref<!tpu.dma_semaphore, #tpu.memory_space<semaphore_mem>>) src(%arg9 : memref<80x128xf32, #tpu.memory_space<vmem>>) dst(%dma_wait3A_82 : memref<80x128xf32, #tpu.memory_space<vmem_shared>>)
      tpu.yield
    }) : () -> ()
    %mul3A_34 = arith.constant 640 : i32
    %mul3A_35 = arith.muli %arg1, %mul3A_34 : i32
    %add3A_36 = arith.constant 560 : i32
    %add3A_37 = arith.addi %mul3A_35, %add3A_36 : i32
    "tpu.region"() ({
      %run_scoped3A_74 = tpu.sem_alloc : memref<!tpu.dma_semaphore, #tpu.memory_space<semaphore_mem>>
      %dma_start3A_75 = arith.constant 0 : i32
      %dma_start3A_76 = tpu.memref_slice %arg11[%add3A_37, %dma_start3A_75] : memref<10240x128xf32, #tpu.memory_space<vmem_shared>> -> memref<80x128xf32, #tpu.memory_space<vmem_shared>>
      %dma_start3A_77 = arith.constant 0 : i32
      %dma_start3A_78 = tpu.memref_slice %arg11[%add3A_37, %dma_start3A_77] : memref<10240x128xf32, #tpu.memory_space<vmem_shared>> -> memref<80x128xf32, #tpu.memory_space<vmem_shared>>
      tpu.enqueue_dma source(%arg9 : memref<80x128xf32, #tpu.memory_space<vmem>>) target(%dma_start3A_78 : memref<80x128xf32, #tpu.memory_space<vmem_shared>>) target_semaphore(%run_scoped3A_74 : memref<!tpu.dma_semaphore, #tpu.memory_space<semaphore_mem>>)
      %dma_wait3A_79 = arith.constant 0 : i32
      %dma_wait3A_80 = tpu.memref_slice %arg11[%add3A_37, %dma_wait3A_79] : memref<10240x128xf32, #tpu.memory_space<vmem_shared>> -> memref<80x128xf32, #tpu.memory_space<vmem_shared>>
      %dma_wait3A_81 = arith.constant 0 : i32
      %dma_wait3A_82 = tpu.memref_slice %arg11[%add3A_37, %dma_wait3A_81] : memref<10240x128xf32, #tpu.memory_space<vmem_shared>> -> memref<80x128xf32, #tpu.memory_space<vmem_shared>>
      tpu.wait_dma2 semaphore(%run_scoped3A_74 : memref<!tpu.dma_semaphore, #tpu.memory_space<semaphore_mem>>) src(%arg9 : memref<80x128xf32, #tpu.memory_space<vmem>>) dst(%dma_wait3A_82 : memref<80x128xf32, #tpu.memory_space<vmem_shared>>)
      tpu.yield
    }) : () -> ()
    "tpu.region"() ({
      %run_scoped3A_74 = tpu.sem_alloc : memref<!tpu.dma_semaphore, #tpu.memory_space<semaphore_mem>>
      %dma_start3A_75 = arith.constant 0 : i32
      %dma_start3A_76 = arith.constant 0 : i32
      %dma_start3A_77 = tpu.memref_slice %arg4[%add3A, %dma_start3A_75, %dma_start3A_76] : memref<32x125x80xi32, #tpu.memory_space<hbm>> -> memref<1x125x80xi32, #tpu.memory_space<hbm>>
      %dma_start3A_78 = tpu.memref_squeeze %dma_start3A_77 : memref<1x125x80xi32, #tpu.memory_space<hbm>> -> memref<125x80xi32, #tpu.memory_space<hbm>>
      %dma_start3A_79 = arith.constant 0 : i32
      %dma_start3A_80 = arith.constant 0 : i32
      %dma_start3A_81 = tpu.memref_slice %arg4[%add3A, %dma_start3A_79, %dma_start3A_80] : memref<32x125x80xi32, #tpu.memory_space<hbm>> -> memref<1x125x80xi32, #tpu.memory_space<hbm>>
      %dma_start3A_82 = tpu.memref_squeeze %dma_start3A_81 : memref<1x125x80xi32, #tpu.memory_space<hbm>> -> memref<125x80xi32, #tpu.memory_space<hbm>>
      tpu.enqueue_dma source(%dma_start3A_82 : memref<125x80xi32, #tpu.memory_space<hbm>>) target(%arg6 : memref<125x80xi32, #tpu.memory_space<vmem>>) target_semaphore(%run_scoped3A_74 : memref<!tpu.dma_semaphore, #tpu.memory_space<semaphore_mem>>)
      %dma_wait3A_83 = arith.constant 0 : i32
      %dma_wait3A_84 = arith.constant 0 : i32
      %dma_wait3A_85 = tpu.memref_slice %arg4[%add3A, %dma_wait3A_83, %dma_wait3A_84] : memref<32x125x80xi32, #tpu.memory_space<hbm>> -> memref<1x125x80xi32, #tpu.memory_space<hbm>>
      %dma_wait3A_86 = tpu.memref_squeeze %dma_wait3A_85 : memref<1x125x80xi32, #tpu.memory_space<hbm>> -> memref<125x80xi32, #tpu.memory_space<hbm>>
      %dma_wait3A_87 = arith.constant 0 : i32
      %dma_wait3A_88 = arith.constant 0 : i32
      %dma_wait3A_89 = tpu.memref_slice %arg4[%add3A, %dma_wait3A_87, %dma_wait3A_88] : memref<32x125x80xi32, #tpu.memory_space<hbm>> -> memref<1x125x80xi32, #tpu.memory_space<hbm>>
      %dma_wait3A_90 = tpu.memref_squeeze %dma_wait3A_89 : memref<1x125x80xi32, #tpu.memory_space<hbm>> -> memref<125x80xi32, #tpu.memory_space<hbm>>
      tpu.wait_dma2 semaphore(%run_scoped3A_74 : memref<!tpu.dma_semaphore, #tpu.memory_space<semaphore_mem>>) src(%dma_wait3A_90 : memref<125x80xi32, #tpu.memory_space<hbm>>) dst(%arg6 : memref<125x80xi32, #tpu.memory_space<vmem>>)
      tpu.yield
    }) : () -> ()
    %dma_start3A = arith.constant 0 : i32
    %dma_start3A_38 = arith.constant 0 : i32
    %dma_start3A_39 = tpu.memref_slice %arg3[%add3A, %dma_start3A, %dma_start3A_38] : memref<32x125x80xi32, #tpu.memory_space<hbm>> -> memref<1x1x80xi32, #tpu.memory_space<hbm>>
    %dma_start3A_40 = tpu.memref_squeeze %dma_start3A_39 : memref<1x1x80xi32, #tpu.memory_space<hbm>> -> memref<80xi32, #tpu.memory_space<hbm>>
    %dma_start3A_41 = arith.constant 0 : i32
    %dma_start3A_42 = tpu.memref_slice %arg3[%add3A, %dma_start3A, %dma_start3A_41] : memref<32x125x80xi32, #tpu.memory_space<hbm>> -> memref<1x1x80xi32, #tpu.memory_space<hbm>>
    %dma_start3A_43 = tpu.memref_squeeze %dma_start3A_42 : memref<1x1x80xi32, #tpu.memory_space<hbm>> -> memref<80xi32, #tpu.memory_space<hbm>>
    tpu.enqueue_dma source(%dma_start3A_43 : memref<80xi32, #tpu.memory_space<hbm>>) target(%arg7 : memref<80xi32, #tpu.memory_space<vmem>>) target_semaphore(%arg14 : memref<!tpu.dma_semaphore, #tpu.memory_space<semaphore_mem>>)
    %dma_start3A_44 = arith.constant 1 : i32
    %dma_start3A_45 = arith.constant 0 : i32
    %dma_start3A_46 = tpu.memref_slice %arg3[%add3A, %dma_start3A_44, %dma_start3A_45] : memref<32x125x80xi32, #tpu.memory_space<hbm>> -> memref<1x1x80xi32, #tpu.memory_space<hbm>>
    %dma_start3A_47 = tpu.memref_squeeze %dma_start3A_46 : memref<1x1x80xi32, #tpu.memory_space<hbm>> -> memref<80xi32, #tpu.memory_space<hbm>>
    %dma_start3A_48 = arith.constant 0 : i32
    %dma_start3A_49 = tpu.memref_slice %arg3[%add3A, %dma_start3A_44, %dma_start3A_48] : memref<32x125x80xi32, #tpu.memory_space<hbm>> -> memref<1x1x80xi32, #tpu.memory_space<hbm>>
    %dma_start3A_50 = tpu.memref_squeeze %dma_start3A_49 : memref<1x1x80xi32, #tpu.memory_space<hbm>> -> memref<80xi32, #tpu.memory_space<hbm>>
    tpu.enqueue_dma source(%dma_start3A_50 : memref<80xi32, #tpu.memory_space<hbm>>) target(%arg8 : memref<80xi32, #tpu.memory_space<vmem>>) target_semaphore(%arg15 : memref<!tpu.dma_semaphore, #tpu.memory_space<semaphore_mem>>)
    %barrier3A = arith.constant 0 : index
    tpu.barrier barrier_id(%barrier3A)
    %dma_wait3A = arith.constant 0 : i32
    %dma_wait3A_51 = arith.constant 0 : i32
    %dma_wait3A_52 = tpu.memref_slice %arg3[%add3A, %dma_wait3A, %dma_wait3A_51] : memref<32x125x80xi32, #tpu.memory_space<hbm>> -> memref<1x1x80xi32, #tpu.memory_space<hbm>>
    %dma_wait3A_53 = tpu.memref_squeeze %dma_wait3A_52 : memref<1x1x80xi32, #tpu.memory_space<hbm>> -> memref<80xi32, #tpu.memory_space<hbm>>
    %dma_wait3A_54 = arith.constant 0 : i32
    %dma_wait3A_55 = tpu.memref_slice %arg3[%add3A, %dma_wait3A, %dma_wait3A_54] : memref<32x125x80xi32, #tpu.memory_space<hbm>> -> memref<1x1x80xi32, #tpu.memory_space<hbm>>
    %dma_wait3A_56 = tpu.memref_squeeze %dma_wait3A_55 : memref<1x1x80xi32, #tpu.memory_space<hbm>> -> memref<80xi32, #tpu.memory_space<hbm>>
    tpu.wait_dma2 semaphore(%arg14 : memref<!tpu.dma_semaphore, #tpu.memory_space<semaphore_mem>>) src(%dma_wait3A_56 : memref<80xi32, #tpu.memory_space<hbm>>) dst(%arg7 : memref<80xi32, #tpu.memory_space<vmem>>)
    %dma_start3A_57 = arith.constant 0 : i32
    %dma_start3A_58 = arith.constant 0 : i32
    %dma_start3A_59 = tpu.memref_slice %arg2[%dma_start3A_57, %dma_start3A_58] : memref<10240x128xf32, #tpu.memory_space<hbm>> -> memref<10240x128xf32, #tpu.memory_space<hbm>>
    tpu.enqueue_indirect_dma source(%dma_start3A_59 : memref<10240x128xf32, #tpu.memory_space<hbm>>) target(%arg9 : memref<80x128xf32, #tpu.memory_space<vmem>>) offsets(%arg7 : memref<80xi32, #tpu.memory_space<vmem>>) semaphore(%arg12 : memref<!tpu.dma_semaphore, #tpu.memory_space<semaphore_mem>>)
    %scan3A_60 = arith.constant 0 : i32
    %scan3A_61 = arith.constant 0 : i32
    %scan3A_62 = arith.constant 62 : i32
    %scan3A_63 = arith.addi %scan3A_61, %scan3A_62 : i32
    %scan3A_64 = arith.constant 1 : i32
    scf.for %scan3A_74 = %scan3A_61 to %scan3A_63 step %scan3A_64  : i32 {
      %mul3A_75 = arith.constant 2 : i32
      %mul3A_76 = arith.muli %scan3A_74, %mul3A_75 : i32
      %add3A_77 = arith.constant 1 : i32
      %add3A_78 = arith.addi %mul3A_76, %add3A_77 : i32
      %dma_wait3A_79 = arith.constant 0 : i32
      %dma_wait3A_80 = tpu.memref_slice %arg3[%add3A, %add3A_78, %dma_wait3A_79] : memref<32x125x80xi32, #tpu.memory_space<hbm>> -> memref<1x1x80xi32, #tpu.memory_space<hbm>>
      %dma_wait3A_81 = tpu.memref_squeeze %dma_wait3A_80 : memref<1x1x80xi32, #tpu.memory_space<hbm>> -> memref<80xi32, #tpu.memory_space<hbm>>
      %dma_wait3A_82 = arith.constant 0 : i32
      %dma_wait3A_83 = tpu.memref_slice %arg3[%add3A, %add3A_78, %dma_wait3A_82] : memref<32x125x80xi32, #tpu.memory_space<hbm>> -> memref<1x1x80xi32, #tpu.memory_space<hbm>>
      %dma_wait3A_84 = tpu.memref_squeeze %dma_wait3A_83 : memref<1x1x80xi32, #tpu.memory_space<hbm>> -> memref<80xi32, #tpu.memory_space<hbm>>
      tpu.wait_dma2 semaphore(%arg15 : memref<!tpu.dma_semaphore, #tpu.memory_space<semaphore_mem>>) src(%dma_wait3A_84 : memref<80xi32, #tpu.memory_space<hbm>>) dst(%arg8 : memref<80xi32, #tpu.memory_space<vmem>>)
      %dma_start3A_85 = arith.constant 0 : i32
      %dma_start3A_86 = arith.constant 0 : i32
      %dma_start3A_87 = tpu.memref_slice %arg2[%dma_start3A_85, %dma_start3A_86] : memref<10240x128xf32, #tpu.memory_space<hbm>> -> memref<10240x128xf32, #tpu.memory_space<hbm>>
      tpu.enqueue_indirect_dma source(%dma_start3A_87 : memref<10240x128xf32, #tpu.memory_space<hbm>>) target(%arg10 : memref<80x128xf32, #tpu.memory_space<vmem>>) offsets(%arg8 : memref<80xi32, #tpu.memory_space<vmem>>) semaphore(%arg13 : memref<!tpu.dma_semaphore, #tpu.memory_space<semaphore_mem>>)
      %dma_wait3A_88 = arith.constant 0 : i32
      %dma_wait3A_89 = arith.constant 0 : i32
      %dma_wait3A_90 = tpu.memref_slice %arg2[%dma_wait3A_88, %dma_wait3A_89] : memref<10240x128xf32, #tpu.memory_space<hbm>> -> memref<10240x128xf32, #tpu.memory_space<hbm>>
      tpu.wait_indirect_dma semaphore(%arg12 : memref<!tpu.dma_semaphore, #tpu.memory_space<semaphore_mem>>) src(%dma_wait3A_90 : memref<10240x128xf32, #tpu.memory_space<hbm>>) dst(%arg9 : memref<80x128xf32, #tpu.memory_space<vmem>>)
      %add3A_91 = arith.constant 2 : i32
      %add3A_92 = arith.addi %mul3A_76, %add3A_91 : i32
      %lt3A = arith.constant 125 : i32
      %lt3A_93 = arith.cmpi slt, %add3A_92, %lt3A : i32
      %convert_element_type3A = arith.extui %lt3A_93 : i1 to i32
      %cond3A = arith.constant 0 : i32
      %cond3A_94 = arith.cmpi ne, %convert_element_type3A, %cond3A : i32
      scf.if %cond3A_94 {
        %add3A_112 = arith.constant 2 : i32
        %add3A_113 = arith.addi %mul3A_76, %add3A_112 : i32
        %dma_start3A_114 = arith.constant 0 : i32
        %dma_start3A_115 = tpu.memref_slice %arg3[%add3A, %add3A_113, %dma_start3A_114] : memref<32x125x80xi32, #tpu.memory_space<hbm>> -> memref<1x1x80xi32, #tpu.memory_space<hbm>>
        %dma_start3A_116 = tpu.memref_squeeze %dma_start3A_115 : memref<1x1x80xi32, #tpu.memory_space<hbm>> -> memref<80xi32, #tpu.memory_space<hbm>>
        %dma_start3A_117 = arith.constant 0 : i32
        %dma_start3A_118 = tpu.memref_slice %arg3[%add3A, %add3A_113, %dma_start3A_117] : memref<32x125x80xi32, #tpu.memory_space<hbm>> -> memref<1x1x80xi32, #tpu.memory_space<hbm>>
        %dma_start3A_119 = tpu.memref_squeeze %dma_start3A_118 : memref<1x1x80xi32, #tpu.memory_space<hbm>> -> memref<80xi32, #tpu.memory_space<hbm>>
        tpu.enqueue_dma source(%dma_start3A_119 : memref<80xi32, #tpu.memory_space<hbm>>) target(%arg7 : memref<80xi32, #tpu.memory_space<vmem>>) target_semaphore(%arg14 : memref<!tpu.dma_semaphore, #tpu.memory_space<semaphore_mem>>)
      } else {
      }
      "tpu.region"() ({
        %run_scoped3A_112 = tpu.sem_alloc : memref<!tpu.dma_semaphore, #tpu.memory_space<semaphore_mem>>
        %dma_start3A_113 = arith.constant 0 : i32
        %dma_start3A_114 = tpu.memref_slice %arg6[%mul3A_76, %dma_start3A_113] : memref<125x80xi32, #tpu.memory_space<vmem>> -> memref<1x80xi32, #tpu.memory_space<vmem>>
        %dma_start3A_115 = tpu.memref_squeeze %dma_start3A_114 : memref<1x80xi32, #tpu.memory_space<vmem>> -> memref<80xi32, #tpu.memory_space<vmem>>
        %dma_start3A_116 = arith.constant 0 : i32
        %dma_start3A_117 = arith.constant 0 : i32
        %dma_start3A_118 = tpu.memref_slice %arg11[%dma_start3A_116, %dma_start3A_117] : memref<10240x128xf32, #tpu.memory_space<vmem_shared>> -> memref<10240x128xf32, #tpu.memory_space<vmem_shared>>
        tpu.enqueue_indirect_dma source(%arg9 : memref<80x128xf32, #tpu.memory_space<vmem>>) target(%dma_start3A_118 : memref<10240x128xf32, #tpu.memory_space<vmem_shared>>) offsets(%dma_start3A_115 : memref<80xi32, #tpu.memory_space<vmem>>) semaphore(%run_scoped3A_112 : memref<!tpu.dma_semaphore, #tpu.memory_space<semaphore_mem>>) {add = true}
        %dma_wait3A_119 = arith.constant 0 : i32
        %dma_wait3A_120 = tpu.memref_slice %arg6[%mul3A_76, %dma_wait3A_119] : memref<125x80xi32, #tpu.memory_space<vmem>> -> memref<1x80xi32, #tpu.memory_space<vmem>>
        %dma_wait3A_121 = tpu.memref_squeeze %dma_wait3A_120 : memref<1x80xi32, #tpu.memory_space<vmem>> -> memref<80xi32, #tpu.memory_space<vmem>>
        %dma_wait3A_122 = arith.constant 0 : i32
        %dma_wait3A_123 = arith.constant 0 : i32
        %dma_wait3A_124 = tpu.memref_slice %arg11[%dma_wait3A_122, %dma_wait3A_123] : memref<10240x128xf32, #tpu.memory_space<vmem_shared>> -> memref<10240x128xf32, #tpu.memory_space<vmem_shared>>
        tpu.wait_indirect_dma semaphore(%run_scoped3A_112 : memref<!tpu.dma_semaphore, #tpu.memory_space<semaphore_mem>>) src(%arg9 : memref<80x128xf32, #tpu.memory_space<vmem>>) dst(%dma_wait3A_124 : memref<10240x128xf32, #tpu.memory_space<vmem_shared>>)
        tpu.yield
      }) : () -> ()
      %add3A_95 = arith.constant 2 : i32
      %add3A_96 = arith.addi %mul3A_76, %add3A_95 : i32
      %lt3A_97 = arith.constant 125 : i32
      %lt3A_98 = arith.cmpi slt, %add3A_96, %lt3A_97 : i32
      %convert_element_type3A_99 = arith.extui %lt3A_98 : i1 to i32
      %cond3A_100 = arith.constant 0 : i32
      %cond3A_101 = arith.cmpi ne, %convert_element_type3A_99, %cond3A_100 : i32
      scf.if %cond3A_101 {
        %add3A_112 = arith.constant 2 : i32
        %add3A_113 = arith.addi %mul3A_76, %add3A_112 : i32
        %dma_wait3A_114 = arith.constant 0 : i32
        %dma_wait3A_115 = tpu.memref_slice %arg3[%add3A, %add3A_113, %dma_wait3A_114] : memref<32x125x80xi32, #tpu.memory_space<hbm>> -> memref<1x1x80xi32, #tpu.memory_space<hbm>>
        %dma_wait3A_116 = tpu.memref_squeeze %dma_wait3A_115 : memref<1x1x80xi32, #tpu.memory_space<hbm>> -> memref<80xi32, #tpu.memory_space<hbm>>
        %dma_wait3A_117 = arith.constant 0 : i32
        %dma_wait3A_118 = tpu.memref_slice %arg3[%add3A, %add3A_113, %dma_wait3A_117] : memref<32x125x80xi32, #tpu.memory_space<hbm>> -> memref<1x1x80xi32, #tpu.memory_space<hbm>>
        %dma_wait3A_119 = tpu.memref_squeeze %dma_wait3A_118 : memref<1x1x80xi32, #tpu.memory_space<hbm>> -> memref<80xi32, #tpu.memory_space<hbm>>
        tpu.wait_dma2 semaphore(%arg14 : memref<!tpu.dma_semaphore, #tpu.memory_space<semaphore_mem>>) src(%dma_wait3A_119 : memref<80xi32, #tpu.memory_space<hbm>>) dst(%arg7 : memref<80xi32, #tpu.memory_space<vmem>>)
        %dma_start3A_120 = arith.constant 0 : i32
        %dma_start3A_121 = arith.constant 0 : i32
        %dma_start3A_122 = tpu.memref_slice %arg2[%dma_start3A_120, %dma_start3A_121] : memref<10240x128xf32, #tpu.memory_space<hbm>> -> memref<10240x128xf32, #tpu.memory_space<hbm>>
        tpu.enqueue_indirect_dma source(%dma_start3A_122 : memref<10240x128xf32, #tpu.memory_space<hbm>>) target(%arg9 : memref<80x128xf32, #tpu.memory_space<vmem>>) offsets(%arg7 : memref<80xi32, #tpu.memory_space<vmem>>) semaphore(%arg12 : memref<!tpu.dma_semaphore, #tpu.memory_space<semaphore_mem>>)
      } else {
      }
      %add3A_102 = arith.constant 2 : i32
      %add3A_103 = arith.addi %add3A_78, %add3A_102 : i32
      %lt3A_104 = arith.constant 125 : i32
      %lt3A_105 = arith.cmpi slt, %add3A_103, %lt3A_104 : i32
      %convert_element_type3A_106 = arith.extui %lt3A_105 : i1 to i32
      %cond3A_107 = arith.constant 0 : i32
      %cond3A_108 = arith.cmpi ne, %convert_element_type3A_106, %cond3A_107 : i32
      scf.if %cond3A_108 {
        %add3A_112 = arith.constant 2 : i32
        %add3A_113 = arith.addi %add3A_78, %add3A_112 : i32
        %dma_start3A_114 = arith.constant 0 : i32
        %dma_start3A_115 = tpu.memref_slice %arg3[%add3A, %add3A_113, %dma_start3A_114] : memref<32x125x80xi32, #tpu.memory_space<hbm>> -> memref<1x1x80xi32, #tpu.memory_space<hbm>>
        %dma_start3A_116 = tpu.memref_squeeze %dma_start3A_115 : memref<1x1x80xi32, #tpu.memory_space<hbm>> -> memref<80xi32, #tpu.memory_space<hbm>>
        %dma_start3A_117 = arith.constant 0 : i32
        %dma_start3A_118 = tpu.memref_slice %arg3[%add3A, %add3A_113, %dma_start3A_117] : memref<32x125x80xi32, #tpu.memory_space<hbm>> -> memref<1x1x80xi32, #tpu.memory_space<hbm>>
        %dma_start3A_119 = tpu.memref_squeeze %dma_start3A_118 : memref<1x1x80xi32, #tpu.memory_space<hbm>> -> memref<80xi32, #tpu.memory_space<hbm>>
        tpu.enqueue_dma source(%dma_start3A_119 : memref<80xi32, #tpu.memory_space<hbm>>) target(%arg8 : memref<80xi32, #tpu.memory_space<vmem>>) target_semaphore(%arg15 : memref<!tpu.dma_semaphore, #tpu.memory_space<semaphore_mem>>)
      } else {
      }
      %dma_wait3A_109 = arith.constant 0 : i32
      %dma_wait3A_110 = arith.constant 0 : i32
      %dma_wait3A_111 = tpu.memref_slice %arg2[%dma_wait3A_109, %dma_wait3A_110] : memref<10240x128xf32, #tpu.memory_space<hbm>> -> memref<10240x128xf32, #tpu.memory_space<hbm>>
      tpu.wait_indirect_dma semaphore(%arg13 : memref<!tpu.dma_semaphore, #tpu.memory_space<semaphore_mem>>) src(%dma_wait3A_111 : memref<10240x128xf32, #tpu.memory_space<hbm>>) dst(%arg10 : memref<80x128xf32, #tpu.memory_space<vmem>>)
      "tpu.region"() ({
        %run_scoped3A_112 = tpu.sem_alloc : memref<!tpu.dma_semaphore, #tpu.memory_space<semaphore_mem>>
        %dma_start3A_113 = arith.constant 0 : i32
        %dma_start3A_114 = tpu.memref_slice %arg6[%add3A_78, %dma_start3A_113] : memref<125x80xi32, #tpu.memory_space<vmem>> -> memref<1x80xi32, #tpu.memory_space<vmem>>
        %dma_start3A_115 = tpu.memref_squeeze %dma_start3A_114 : memref<1x80xi32, #tpu.memory_space<vmem>> -> memref<80xi32, #tpu.memory_space<vmem>>
        %dma_start3A_116 = arith.constant 0 : i32
        %dma_start3A_117 = arith.constant 0 : i32
        %dma_start3A_118 = tpu.memref_slice %arg11[%dma_start3A_116, %dma_start3A_117] : memref<10240x128xf32, #tpu.memory_space<vmem_shared>> -> memref<10240x128xf32, #tpu.memory_space<vmem_shared>>
        tpu.enqueue_indirect_dma source(%arg10 : memref<80x128xf32, #tpu.memory_space<vmem>>) target(%dma_start3A_118 : memref<10240x128xf32, #tpu.memory_space<vmem_shared>>) offsets(%dma_start3A_115 : memref<80xi32, #tpu.memory_space<vmem>>) semaphore(%run_scoped3A_112 : memref<!tpu.dma_semaphore, #tpu.memory_space<semaphore_mem>>) {add = true}
        %dma_wait3A_119 = arith.constant 0 : i32
        %dma_wait3A_120 = tpu.memref_slice %arg6[%add3A_78, %dma_wait3A_119] : memref<125x80xi32, #tpu.memory_space<vmem>> -> memref<1x80xi32, #tpu.memory_space<vmem>>
        %dma_wait3A_121 = tpu.memref_squeeze %dma_wait3A_120 : memref<1x80xi32, #tpu.memory_space<vmem>> -> memref<80xi32, #tpu.memory_space<vmem>>
        %dma_wait3A_122 = arith.constant 0 : i32
        %dma_wait3A_123 = arith.constant 0 : i32
        %dma_wait3A_124 = tpu.memref_slice %arg11[%dma_wait3A_122, %dma_wait3A_123] : memref<10240x128xf32, #tpu.memory_space<vmem_shared>> -> memref<10240x128xf32, #tpu.memory_space<vmem_shared>>
        tpu.wait_indirect_dma semaphore(%run_scoped3A_112 : memref<!tpu.dma_semaphore, #tpu.memory_space<semaphore_mem>>) src(%arg10 : memref<80x128xf32, #tpu.memory_space<vmem>>) dst(%dma_wait3A_124 : memref<10240x128xf32, #tpu.memory_space<vmem_shared>>)
        tpu.yield
      }) : () -> ()
    }
    %scan3A_65 = arith.constant 62 : i32
    %dma_wait3A_66 = arith.constant 0 : i32
    %dma_wait3A_67 = arith.constant 0 : i32
    %dma_wait3A_68 = tpu.memref_slice %arg2[%dma_wait3A_66, %dma_wait3A_67] : memref<10240x128xf32, #tpu.memory_space<hbm>> -> memref<10240x128xf32, #tpu.memory_space<hbm>>
    tpu.wait_indirect_dma semaphore(%arg12 : memref<!tpu.dma_semaphore, #tpu.memory_space<semaphore_mem>>) src(%dma_wait3A_68 : memref<10240x128xf32, #tpu.memory_space<hbm>>) dst(%arg9 : memref<80x128xf32, #tpu.memory_space<vmem>>)
    %run_scoped3A = arith.constant 124 : i32
    "tpu.region"() ({
      %run_scoped3A_74 = tpu.sem_alloc : memref<!tpu.dma_semaphore, #tpu.memory_space<semaphore_mem>>
      %dma_start3A_75 = arith.constant 0 : i32
      %dma_start3A_76 = tpu.memref_slice %arg6[%run_scoped3A, %dma_start3A_75] : memref<125x80xi32, #tpu.memory_space<vmem>> -> memref<1x80xi32, #tpu.memory_space<vmem>>
      %dma_start3A_77 = tpu.memref_squeeze %dma_start3A_76 : memref<1x80xi32, #tpu.memory_space<vmem>> -> memref<80xi32, #tpu.memory_space<vmem>>
      %dma_start3A_78 = arith.constant 0 : i32
      %dma_start3A_79 = arith.constant 0 : i32
      %dma_start3A_80 = tpu.memref_slice %arg11[%dma_start3A_78, %dma_start3A_79] : memref<10240x128xf32, #tpu.memory_space<vmem_shared>> -> memref<10240x128xf32, #tpu.memory_space<vmem_shared>>
      tpu.enqueue_indirect_dma source(%arg9 : memref<80x128xf32, #tpu.memory_space<vmem>>) target(%dma_start3A_80 : memref<10240x128xf32, #tpu.memory_space<vmem_shared>>) offsets(%dma_start3A_77 : memref<80xi32, #tpu.memory_space<vmem>>) semaphore(%run_scoped3A_74 : memref<!tpu.dma_semaphore, #tpu.memory_space<semaphore_mem>>) {add = true}
      %dma_wait3A_81 = arith.constant 0 : i32
      %dma_wait3A_82 = tpu.memref_slice %arg6[%run_scoped3A, %dma_wait3A_81] : memref<125x80xi32, #tpu.memory_space<vmem>> -> memref<1x80xi32, #tpu.memory_space<vmem>>
      %dma_wait3A_83 = tpu.memref_squeeze %dma_wait3A_82 : memref<1x80xi32, #tpu.memory_space<vmem>> -> memref<80xi32, #tpu.memory_space<vmem>>
      %dma_wait3A_84 = arith.constant 0 : i32
      %dma_wait3A_85 = arith.constant 0 : i32
      %dma_wait3A_86 = tpu.memref_slice %arg11[%dma_wait3A_84, %dma_wait3A_85] : memref<10240x128xf32, #tpu.memory_space<vmem_shared>> -> memref<10240x128xf32, #tpu.memory_space<vmem_shared>>
      tpu.wait_indirect_dma semaphore(%run_scoped3A_74 : memref<!tpu.dma_semaphore, #tpu.memory_space<semaphore_mem>>) src(%arg9 : memref<80x128xf32, #tpu.memory_space<vmem>>) dst(%dma_wait3A_86 : memref<10240x128xf32, #tpu.memory_space<vmem_shared>>)
      tpu.yield
    }) : () -> ()
    %barrier3A_69 = arith.constant 0 : index
    tpu.barrier barrier_id(%barrier3A_69)
    %mul3A_70 = arith.constant 640 : i32
    %mul3A_71 = arith.muli %arg1, %mul3A_70 : i32
    %mul3A_72 = arith.constant 640 : i32
    %mul3A_73 = arith.muli %arg1, %mul3A_72 : i32
    "tpu.region"() ({
      %run_scoped3A_74 = tpu.sem_alloc : memref<!tpu.dma_semaphore, #tpu.memory_space<semaphore_mem>>
      %dma_start3A_75 = arith.constant 0 : i32
      %dma_start3A_76 = tpu.memref_slice %arg5[%arg0, %mul3A_73, %dma_start3A_75] : memref<2x10240x128xf32, #tpu.memory_space<hbm>> -> memref<1x640x128xf32, #tpu.memory_space<hbm>>
      %dma_start3A_77 = tpu.memref_squeeze %dma_start3A_76 : memref<1x640x128xf32, #tpu.memory_space<hbm>> -> memref<640x128xf32, #tpu.memory_space<hbm>>
      %dma_start3A_78 = arith.constant 0 : i32
      %dma_start3A_79 = tpu.memref_slice %arg11[%mul3A_71, %dma_start3A_78] : memref<10240x128xf32, #tpu.memory_space<vmem_shared>> -> memref<640x128xf32, #tpu.memory_space<vmem_shared>>
      tpu.enqueue_dma source(%dma_start3A_79 : memref<640x128xf32, #tpu.memory_space<vmem_shared>>) target(%dma_start3A_77 : memref<640x128xf32, #tpu.memory_space<hbm>>) target_semaphore(%run_scoped3A_74 : memref<!tpu.dma_semaphore, #tpu.memory_space<semaphore_mem>>)
      %dma_wait3A_80 = arith.constant 0 : i32
      %dma_wait3A_81 = tpu.memref_slice %arg5[%arg0, %mul3A_73, %dma_wait3A_80] : memref<2x10240x128xf32, #tpu.memory_space<hbm>> -> memref<1x640x128xf32, #tpu.memory_space<hbm>>
      %dma_wait3A_82 = tpu.memref_squeeze %dma_wait3A_81 : memref<1x640x128xf32, #tpu.memory_space<hbm>> -> memref<640x128xf32, #tpu.memory_space<hbm>>
      %dma_wait3A_83 = arith.constant 0 : i32
      %dma_wait3A_84 = tpu.memref_slice %arg11[%mul3A_71, %dma_wait3A_83] : memref<10240x128xf32, #tpu.memory_space<vmem_shared>> -> memref<640x128xf32, #tpu.memory_space<vmem_shared>>
      tpu.wait_dma2 semaphore(%run_scoped3A_74 : memref<!tpu.dma_semaphore, #tpu.memory_space<semaphore_mem>>) src(%dma_wait3A_84 : memref<640x128xf32, #tpu.memory_space<vmem_shared>>) dst(%dma_wait3A_82 : memref<640x128xf32, #tpu.memory_space<hbm>>)
      tpu.yield
    }) : () -> ()
    return
  }
}

#map = affine_map<(d0, d1) -> (0, 0)>
#map1 = affine_map<(d0, d1) -> (0, 0, 0)>
module attributes {stable_mosaic.version = 14 : i64} {
  func.func @_agg_kernel(%arg0: i32, %arg1: i32, %arg2: memref<10240x128xf32, #tpu.memory_space<hbm>>, %arg3: memref<32x125x80xi32, #tpu.memory_space<hbm>>, %arg4: memref<32x125x80xi32, #tpu.memory_space<hbm>>, %arg5: memref<2x10240x128xf32, #tpu.memory_space<hbm>>, %arg6: memref<125x80xi32, #tpu.memory_space<vmem>>, %arg7: memref<80xi32, #tpu.memory_space<vmem>>, %arg8: memref<80xi32, #tpu.memory_space<vmem>>, %arg9: memref<80x128xf32, #tpu.memory_space<vmem>>, %arg10: memref<80x128xf32, #tpu.memory_space<vmem>>, %arg11: memref<10240x128xf32, #tpu.memory_space<vmem_shared>>, %arg12: memref<!tpu.dma_semaphore, #tpu.memory_space<semaphore_mem>>, %arg13: memref<!tpu.dma_semaphore, #tpu.memory_space<semaphore_mem>>, %arg14: memref<!tpu.dma_semaphore, #tpu.memory_space<semaphore_mem>>, %arg15: memref<!tpu.dma_semaphore, #tpu.memory_space<semaphore_mem>>) attributes {dimension_semantics = [#tpu.dimension_semantics<core_parallel>, #tpu.dimension_semantics<subcore_parallel>], iteration_bounds = array<i64: 2, 16>, scalar_prefetch = 0 : i64, scratch_operands = 10 : i64, tpu.core_type = #tpu.core_type<sc_vector_subcore>, window_params = [{transform_indices = #map}, {transform_indices = #map1}, {transform_indices = #map1}, {transform_indices = #map1}]} {
    %mul3A = arith.constant 16 : i32
    %mul3A_0 = arith.muli %arg0, %mul3A : i32
    %add3A = arith.addi %mul3A_0, %arg1 : i32
    %scan3A = arith.constant 0 : i32
    %scan3A_1 = arith.constant 0 : i32
    %scan3A_2 = arith.constant 80 : i32
    %scan3A_3 = arith.addi %scan3A_1, %scan3A_2 : i32
    %scan3A_4 = arith.constant 1 : i32
    scf.for %scan3A_74 = %scan3A_1 to %scan3A_3 step %scan3A_4  : i32 {
      %broadcast_in_dim3A = arith.constant 0.000000e+00 : f32
      %broadcast_in_dim3A_75 = vector.broadcast %broadcast_in_dim3A : f32 to vector<16xf32>
      %swap3A = arith.index_cast %scan3A_74 : i32 to index
      %swap3A_76 = arith.constant 0 : index
      %swap3A_77 = tpu.vector_load %arg9[%swap3A, %swap3A_76] {strides = array<i32>} : memref<80x128xf32, #tpu.memory_space<vmem>>, vector<1x16xf32>,
      %swap3A_78 = vector.shape_cast %swap3A_77 : vector<1x16xf32> to vector<16xf32>
      %swap3A_79 = vector.shape_cast %broadcast_in_dim3A_75 : vector<16xf32> to vector<1x16xf32>
      tpu.vector_store %arg9[%swap3A, %swap3A_76], %swap3A_79 {strides = array<i32>} : memref<80x128xf32, #tpu.memory_space<vmem>>, vector<1x16xf32>,
      %broadcast_in_dim3A_80 = arith.constant 0.000000e+00 : f32
      %broadcast_in_dim3A_81 = vector.broadcast %broadcast_in_dim3A_80 : f32 to vector<16xf32>
      %swap3A_82 = arith.index_cast %scan3A_74 : i32 to index
      %swap3A_83 = arith.constant 16 : index
      %swap3A_84 = tpu.vector_load %arg9[%swap3A_82, %swap3A_83] {strides = array<i32>} : memref<80x128xf32, #tpu.memory_space<vmem>>, vector<1x16xf32>,
      %swap3A_85 = vector.shape_cast %swap3A_84 : vector<1x16xf32> to vector<16xf32>
      %swap3A_86 = vector.shape_cast %broadcast_in_dim3A_81 : vector<16xf32> to vector<1x16xf32>
      tpu.vector_store %arg9[%swap3A_82, %swap3A_83], %swap3A_86 {strides = array<i32>} : memref<80x128xf32, #tpu.memory_space<vmem>>, vector<1x16xf32>,
      %broadcast_in_dim3A_87 = arith.constant 0.000000e+00 : f32
      %broadcast_in_dim3A_88 = vector.broadcast %broadcast_in_dim3A_87 : f32 to vector<16xf32>
      %swap3A_89 = arith.index_cast %scan3A_74 : i32 to index
      %swap3A_90 = arith.constant 32 : index
      %swap3A_91 = tpu.vector_load %arg9[%swap3A_89, %swap3A_90] {strides = array<i32>} : memref<80x128xf32, #tpu.memory_space<vmem>>, vector<1x16xf32>,
      %swap3A_92 = vector.shape_cast %swap3A_91 : vector<1x16xf32> to vector<16xf32>
      %swap3A_93 = vector.shape_cast %broadcast_in_dim3A_88 : vector<16xf32> to vector<1x16xf32>
      tpu.vector_store %arg9[%swap3A_89, %swap3A_90], %swap3A_93 {strides = array<i32>} : memref<80x128xf32, #tpu.memory_space<vmem>>, vector<1x16xf32>,
      %broadcast_in_dim3A_94 = arith.constant 0.000000e+00 : f32
      %broadcast_in_dim3A_95 = vector.broadcast %broadcast_in_dim3A_94 : f32 to vector<16xf32>
      %swap3A_96 = arith.index_cast %scan3A_74 : i32 to index
      %swap3A_97 = arith.constant 48 : index
      %swap3A_98 = tpu.vector_load %arg9[%swap3A_96, %swap3A_97] {strides = array<i32>} : memref<80x128xf32, #tpu.memory_space<vmem>>, vector<1x16xf32>,
      %swap3A_99 = vector.shape_cast %swap3A_98 : vector<1x16xf32> to vector<16xf32>
      %swap3A_100 = vector.shape_cast %broadcast_in_dim3A_95 : vector<16xf32> to vector<1x16xf32>
      tpu.vector_store %arg9[%swap3A_96, %swap3A_97], %swap3A_100 {strides = array<i32>} : memref<80x128xf32, #tpu.memory_space<vmem>>, vector<1x16xf32>,
      %broadcast_in_dim3A_101 = arith.constant 0.000000e+00 : f32
      %broadcast_in_dim3A_102 = vector.broadcast %broadcast_in_dim3A_101 : f32 to vector<16xf32>
      %swap3A_103 = arith.index_cast %scan3A_74 : i32 to index
      %swap3A_104 = arith.constant 64 : index
      %swap3A_105 = tpu.vector_load %arg9[%swap3A_103, %swap3A_104] {strides = array<i32>} : memref<80x128xf32, #tpu.memory_space<vmem>>, vector<1x16xf32>,
      %swap3A_106 = vector.shape_cast %swap3A_105 : vector<1x16xf32> to vector<16xf32>
      %swap3A_107 = vector.shape_cast %broadcast_in_dim3A_102 : vector<16xf32> to vector<1x16xf32>
      tpu.vector_store %arg9[%swap3A_103, %swap3A_104], %swap3A_107 {strides = array<i32>} : memref<80x128xf32, #tpu.memory_space<vmem>>, vector<1x16xf32>,
      %broadcast_in_dim3A_108 = arith.constant 0.000000e+00 : f32
      %broadcast_in_dim3A_109 = vector.broadcast %broadcast_in_dim3A_108 : f32 to vector<16xf32>
      %swap3A_110 = arith.index_cast %scan3A_74 : i32 to index
      %swap3A_111 = arith.constant 80 : index
      %swap3A_112 = tpu.vector_load %arg9[%swap3A_110, %swap3A_111] {strides = array<i32>} : memref<80x128xf32, #tpu.memory_space<vmem>>, vector<1x16xf32>,
      %swap3A_113 = vector.shape_cast %swap3A_112 : vector<1x16xf32> to vector<16xf32>
      %swap3A_114 = vector.shape_cast %broadcast_in_dim3A_109 : vector<16xf32> to vector<1x16xf32>
      tpu.vector_store %arg9[%swap3A_110, %swap3A_111], %swap3A_114 {strides = array<i32>} : memref<80x128xf32, #tpu.memory_space<vmem>>, vector<1x16xf32>,
      %broadcast_in_dim3A_115 = arith.constant 0.000000e+00 : f32
      %broadcast_in_dim3A_116 = vector.broadcast %broadcast_in_dim3A_115 : f32 to vector<16xf32>
      %swap3A_117 = arith.index_cast %scan3A_74 : i32 to index
      %swap3A_118 = arith.constant 96 : index
      %swap3A_119 = tpu.vector_load %arg9[%swap3A_117, %swap3A_118] {strides = array<i32>} : memref<80x128xf32, #tpu.memory_space<vmem>>, vector<1x16xf32>,
      %swap3A_120 = vector.shape_cast %swap3A_119 : vector<1x16xf32> to vector<16xf32>
      %swap3A_121 = vector.shape_cast %broadcast_in_dim3A_116 : vector<16xf32> to vector<1x16xf32>
      tpu.vector_store %arg9[%swap3A_117, %swap3A_118], %swap3A_121 {strides = array<i32>} : memref<80x128xf32, #tpu.memory_space<vmem>>, vector<1x16xf32>,
      %broadcast_in_dim3A_122 = arith.constant 0.000000e+00 : f32
      %broadcast_in_dim3A_123 = vector.broadcast %broadcast_in_dim3A_122 : f32 to vector<16xf32>
      %swap3A_124 = arith.index_cast %scan3A_74 : i32 to index
      %swap3A_125 = arith.constant 112 : index
      %swap3A_126 = tpu.vector_load %arg9[%swap3A_124, %swap3A_125] {strides = array<i32>} : memref<80x128xf32, #tpu.memory_space<vmem>>, vector<1x16xf32>,
      %swap3A_127 = vector.shape_cast %swap3A_126 : vector<1x16xf32> to vector<16xf32>
      %swap3A_128 = vector.shape_cast %broadcast_in_dim3A_123 : vector<16xf32> to vector<1x16xf32>
      tpu.vector_store %arg9[%swap3A_124, %swap3A_125], %swap3A_128 {strides = array<i32>} : memref<80x128xf32, #tpu.memory_space<vmem>>, vector<1x16xf32>,
    }
    %scan3A_5 = arith.constant 80 : i32
    %mul3A_6 = arith.constant 640 : i32
    %mul3A_7 = arith.muli %arg1, %mul3A_6 : i32
    %add3A_8 = arith.constant 0 : i32
    %add3A_9 = arith.addi %mul3A_7, %add3A_8 : i32
    "tpu.region"() ({
      %run_scoped3A_74 = tpu.sem_alloc : memref<!tpu.dma_semaphore, #tpu.memory_space<semaphore_mem>>
      %dma_start3A_75 = arith.constant 0 : i32
      %dma_start3A_76 = tpu.memref_slice %arg11[%add3A_9, %dma_start3A_75] : memref<10240x128xf32, #tpu.memory_space<vmem_shared>> -> memref<80x128xf32, #tpu.memory_space<vmem_shared>>
      %dma_start3A_77 = arith.constant 0 : i32
      %dma_start3A_78 = tpu.memref_slice %arg11[%add3A_9, %dma_start3A_77] : memref<10240x128xf32, #tpu.memory_space<vmem_shared>> -> memref<80x128xf32, #tpu.memory_space<vmem_shared>>
      tpu.enqueue_dma source(%arg9 : memref<80x128xf32, #tpu.memory_space<vmem>>) target(%dma_start3A_78 : memref<80x128xf32, #tpu.memory_space<vmem_shared>>) target_semaphore(%run_scoped3A_74 : memref<!tpu.dma_semaphore, #tpu.memory_space<semaphore_mem>>)
      %dma_wait3A_79 = arith.constant 0 : i32
      %dma_wait3A_80 = tpu.memref_slice %arg11[%add3A_9, %dma_wait3A_79] : memref<10240x128xf32, #tpu.memory_space<vmem_shared>> -> memref<80x128xf32, #tpu.memory_space<vmem_shared>>
      %dma_wait3A_81 = arith.constant 0 : i32
      %dma_wait3A_82 = tpu.memref_slice %arg11[%add3A_9, %dma_wait3A_81] : memref<10240x128xf32, #tpu.memory_space<vmem_shared>> -> memref<80x128xf32, #tpu.memory_space<vmem_shared>>
      tpu.wait_dma2 semaphore(%run_scoped3A_74 : memref<!tpu.dma_semaphore, #tpu.memory_space<semaphore_mem>>) src(%arg9 : memref<80x128xf32, #tpu.memory_space<vmem>>) dst(%dma_wait3A_82 : memref<80x128xf32, #tpu.memory_space<vmem_shared>>)
      tpu.yield
    }) : () -> ()
    %mul3A_10 = arith.constant 640 : i32
    %mul3A_11 = arith.muli %arg1, %mul3A_10 : i32
    %add3A_12 = arith.constant 80 : i32
    %add3A_13 = arith.addi %mul3A_11, %add3A_12 : i32
    "tpu.region"() ({
      %run_scoped3A_74 = tpu.sem_alloc : memref<!tpu.dma_semaphore, #tpu.memory_space<semaphore_mem>>
      %dma_start3A_75 = arith.constant 0 : i32
      %dma_start3A_76 = tpu.memref_slice %arg11[%add3A_13, %dma_start3A_75] : memref<10240x128xf32, #tpu.memory_space<vmem_shared>> -> memref<80x128xf32, #tpu.memory_space<vmem_shared>>
      %dma_start3A_77 = arith.constant 0 : i32
      %dma_start3A_78 = tpu.memref_slice %arg11[%add3A_13, %dma_start3A_77] : memref<10240x128xf32, #tpu.memory_space<vmem_shared>> -> memref<80x128xf32, #tpu.memory_space<vmem_shared>>
      tpu.enqueue_dma source(%arg9 : memref<80x128xf32, #tpu.memory_space<vmem>>) target(%dma_start3A_78 : memref<80x128xf32, #tpu.memory_space<vmem_shared>>) target_semaphore(%run_scoped3A_74 : memref<!tpu.dma_semaphore, #tpu.memory_space<semaphore_mem>>)
      %dma_wait3A_79 = arith.constant 0 : i32
      %dma_wait3A_80 = tpu.memref_slice %arg11[%add3A_13, %dma_wait3A_79] : memref<10240x128xf32, #tpu.memory_space<vmem_shared>> -> memref<80x128xf32, #tpu.memory_space<vmem_shared>>
      %dma_wait3A_81 = arith.constant 0 : i32
      %dma_wait3A_82 = tpu.memref_slice %arg11[%add3A_13, %dma_wait3A_81] : memref<10240x128xf32, #tpu.memory_space<vmem_shared>> -> memref<80x128xf32, #tpu.memory_space<vmem_shared>>
      tpu.wait_dma2 semaphore(%run_scoped3A_74 : memref<!tpu.dma_semaphore, #tpu.memory_space<semaphore_mem>>) src(%arg9 : memref<80x128xf32, #tpu.memory_space<vmem>>) dst(%dma_wait3A_82 : memref<80x128xf32, #tpu.memory_space<vmem_shared>>)
      tpu.yield
    }) : () -> ()
    %mul3A_14 = arith.constant 640 : i32
    %mul3A_15 = arith.muli %arg1, %mul3A_14 : i32
    %add3A_16 = arith.constant 160 : i32
    %add3A_17 = arith.addi %mul3A_15, %add3A_16 : i32
    "tpu.region"() ({
      %run_scoped3A_74 = tpu.sem_alloc : memref<!tpu.dma_semaphore, #tpu.memory_space<semaphore_mem>>
      %dma_start3A_75 = arith.constant 0 : i32
      %dma_start3A_76 = tpu.memref_slice %arg11[%add3A_17, %dma_start3A_75] : memref<10240x128xf32, #tpu.memory_space<vmem_shared>> -> memref<80x128xf32, #tpu.memory_space<vmem_shared>>
      %dma_start3A_77 = arith.constant 0 : i32
      %dma_start3A_78 = tpu.memref_slice %arg11[%add3A_17, %dma_start3A_77] : memref<10240x128xf32, #tpu.memory_space<vmem_shared>> -> memref<80x128xf32, #tpu.memory_space<vmem_shared>>
      tpu.enqueue_dma source(%arg9 : memref<80x128xf32, #tpu.memory_space<vmem>>) target(%dma_start3A_78 : memref<80x128xf32, #tpu.memory_space<vmem_shared>>) target_semaphore(%run_scoped3A_74 : memref<!tpu.dma_semaphore, #tpu.memory_space<semaphore_mem>>)
      %dma_wait3A_79 = arith.constant 0 : i32
      %dma_wait3A_80 = tpu.memref_slice %arg11[%add3A_17, %dma_wait3A_79] : memref<10240x128xf32, #tpu.memory_space<vmem_shared>> -> memref<80x128xf32, #tpu.memory_space<vmem_shared>>
      %dma_wait3A_81 = arith.constant 0 : i32
      %dma_wait3A_82 = tpu.memref_slice %arg11[%add3A_17, %dma_wait3A_81] : memref<10240x128xf32, #tpu.memory_space<vmem_shared>> -> memref<80x128xf32, #tpu.memory_space<vmem_shared>>
      tpu.wait_dma2 semaphore(%run_scoped3A_74 : memref<!tpu.dma_semaphore, #tpu.memory_space<semaphore_mem>>) src(%arg9 : memref<80x128xf32, #tpu.memory_space<vmem>>) dst(%dma_wait3A_82 : memref<80x128xf32, #tpu.memory_space<vmem_shared>>)
      tpu.yield
    }) : () -> ()
    %mul3A_18 = arith.constant 640 : i32
    %mul3A_19 = arith.muli %arg1, %mul3A_18 : i32
    %add3A_20 = arith.constant 240 : i32
    %add3A_21 = arith.addi %mul3A_19, %add3A_20 : i32
    "tpu.region"() ({
      %run_scoped3A_74 = tpu.sem_alloc : memref<!tpu.dma_semaphore, #tpu.memory_space<semaphore_mem>>
      %dma_start3A_75 = arith.constant 0 : i32
      %dma_start3A_76 = tpu.memref_slice %arg11[%add3A_21, %dma_start3A_75] : memref<10240x128xf32, #tpu.memory_space<vmem_shared>> -> memref<80x128xf32, #tpu.memory_space<vmem_shared>>
      %dma_start3A_77 = arith.constant 0 : i32
      %dma_start3A_78 = tpu.memref_slice %arg11[%add3A_21, %dma_start3A_77] : memref<10240x128xf32, #tpu.memory_space<vmem_shared>> -> memref<80x128xf32, #tpu.memory_space<vmem_shared>>
      tpu.enqueue_dma source(%arg9 : memref<80x128xf32, #tpu.memory_space<vmem>>) target(%dma_start3A_78 : memref<80x128xf32, #tpu.memory_space<vmem_shared>>) target_semaphore(%run_scoped3A_74 : memref<!tpu.dma_semaphore, #tpu.memory_space<semaphore_mem>>)
      %dma_wait3A_79 = arith.constant 0 : i32
      %dma_wait3A_80 = tpu.memref_slice %arg11[%add3A_21, %dma_wait3A_79] : memref<10240x128xf32, #tpu.memory_space<vmem_shared>> -> memref<80x128xf32, #tpu.memory_space<vmem_shared>>
      %dma_wait3A_81 = arith.constant 0 : i32
      %dma_wait3A_82 = tpu.memref_slice %arg11[%add3A_21, %dma_wait3A_81] : memref<10240x128xf32, #tpu.memory_space<vmem_shared>> -> memref<80x128xf32, #tpu.memory_space<vmem_shared>>
      tpu.wait_dma2 semaphore(%run_scoped3A_74 : memref<!tpu.dma_semaphore, #tpu.memory_space<semaphore_mem>>) src(%arg9 : memref<80x128xf32, #tpu.memory_space<vmem>>) dst(%dma_wait3A_82 : memref<80x128xf32, #tpu.memory_space<vmem_shared>>)
      tpu.yield
    }) : () -> ()
    %mul3A_22 = arith.constant 640 : i32
    %mul3A_23 = arith.muli %arg1, %mul3A_22 : i32
    %add3A_24 = arith.constant 320 : i32
    %add3A_25 = arith.addi %mul3A_23, %add3A_24 : i32
    "tpu.region"() ({
      %run_scoped3A_74 = tpu.sem_alloc : memref<!tpu.dma_semaphore, #tpu.memory_space<semaphore_mem>>
      %dma_start3A_75 = arith.constant 0 : i32
      %dma_start3A_76 = tpu.memref_slice %arg11[%add3A_25, %dma_start3A_75] : memref<10240x128xf32, #tpu.memory_space<vmem_shared>> -> memref<80x128xf32, #tpu.memory_space<vmem_shared>>
      %dma_start3A_77 = arith.constant 0 : i32
      %dma_start3A_78 = tpu.memref_slice %arg11[%add3A_25, %dma_start3A_77] : memref<10240x128xf32, #tpu.memory_space<vmem_shared>> -> memref<80x128xf32, #tpu.memory_space<vmem_shared>>
      tpu.enqueue_dma source(%arg9 : memref<80x128xf32, #tpu.memory_space<vmem>>) target(%dma_start3A_78 : memref<80x128xf32, #tpu.memory_space<vmem_shared>>) target_semaphore(%run_scoped3A_74 : memref<!tpu.dma_semaphore, #tpu.memory_space<semaphore_mem>>)
      %dma_wait3A_79 = arith.constant 0 : i32
      %dma_wait3A_80 = tpu.memref_slice %arg11[%add3A_25, %dma_wait3A_79] : memref<10240x128xf32, #tpu.memory_space<vmem_shared>> -> memref<80x128xf32, #tpu.memory_space<vmem_shared>>
      %dma_wait3A_81 = arith.constant 0 : i32
      %dma_wait3A_82 = tpu.memref_slice %arg11[%add3A_25, %dma_wait3A_81] : memref<10240x128xf32, #tpu.memory_space<vmem_shared>> -> memref<80x128xf32, #tpu.memory_space<vmem_shared>>
      tpu.wait_dma2 semaphore(%run_scoped3A_74 : memref<!tpu.dma_semaphore, #tpu.memory_space<semaphore_mem>>) src(%arg9 : memref<80x128xf32, #tpu.memory_space<vmem>>) dst(%dma_wait3A_82 : memref<80x128xf32, #tpu.memory_space<vmem_shared>>)
      tpu.yield
    }) : () -> ()
    %mul3A_26 = arith.constant 640 : i32
    %mul3A_27 = arith.muli %arg1, %mul3A_26 : i32
    %add3A_28 = arith.constant 400 : i32
    %add3A_29 = arith.addi %mul3A_27, %add3A_28 : i32
    "tpu.region"() ({
      %run_scoped3A_74 = tpu.sem_alloc : memref<!tpu.dma_semaphore, #tpu.memory_space<semaphore_mem>>
      %dma_start3A_75 = arith.constant 0 : i32
      %dma_start3A_76 = tpu.memref_slice %arg11[%add3A_29, %dma_start3A_75] : memref<10240x128xf32, #tpu.memory_space<vmem_shared>> -> memref<80x128xf32, #tpu.memory_space<vmem_shared>>
      %dma_start3A_77 = arith.constant 0 : i32
      %dma_start3A_78 = tpu.memref_slice %arg11[%add3A_29, %dma_start3A_77] : memref<10240x128xf32, #tpu.memory_space<vmem_shared>> -> memref<80x128xf32, #tpu.memory_space<vmem_shared>>
      tpu.enqueue_dma source(%arg9 : memref<80x128xf32, #tpu.memory_space<vmem>>) target(%dma_start3A_78 : memref<80x128xf32, #tpu.memory_space<vmem_shared>>) target_semaphore(%run_scoped3A_74 : memref<!tpu.dma_semaphore, #tpu.memory_space<semaphore_mem>>)
      %dma_wait3A_79 = arith.constant 0 : i32
      %dma_wait3A_80 = tpu.memref_slice %arg11[%add3A_29, %dma_wait3A_79] : memref<10240x128xf32, #tpu.memory_space<vmem_shared>> -> memref<80x128xf32, #tpu.memory_space<vmem_shared>>
      %dma_wait3A_81 = arith.constant 0 : i32
      %dma_wait3A_82 = tpu.memref_slice %arg11[%add3A_29, %dma_wait3A_81] : memref<10240x128xf32, #tpu.memory_space<vmem_shared>> -> memref<80x128xf32, #tpu.memory_space<vmem_shared>>
      tpu.wait_dma2 semaphore(%run_scoped3A_74 : memref<!tpu.dma_semaphore, #tpu.memory_space<semaphore_mem>>) src(%arg9 : memref<80x128xf32, #tpu.memory_space<vmem>>) dst(%dma_wait3A_82 : memref<80x128xf32, #tpu.memory_space<vmem_shared>>)
      tpu.yield
    }) : () -> ()
    %mul3A_30 = arith.constant 640 : i32
    %mul3A_31 = arith.muli %arg1, %mul3A_30 : i32
    %add3A_32 = arith.constant 480 : i32
    %add3A_33 = arith.addi %mul3A_31, %add3A_32 : i32
    "tpu.region"() ({
      %run_scoped3A_74 = tpu.sem_alloc : memref<!tpu.dma_semaphore, #tpu.memory_space<semaphore_mem>>
      %dma_start3A_75 = arith.constant 0 : i32
      %dma_start3A_76 = tpu.memref_slice %arg11[%add3A_33, %dma_start3A_75] : memref<10240x128xf32, #tpu.memory_space<vmem_shared>> -> memref<80x128xf32, #tpu.memory_space<vmem_shared>>
      %dma_start3A_77 = arith.constant 0 : i32
      %dma_start3A_78 = tpu.memref_slice %arg11[%add3A_33, %dma_start3A_77] : memref<10240x128xf32, #tpu.memory_space<vmem_shared>> -> memref<80x128xf32, #tpu.memory_space<vmem_shared>>
      tpu.enqueue_dma source(%arg9 : memref<80x128xf32, #tpu.memory_space<vmem>>) target(%dma_start3A_78 : memref<80x128xf32, #tpu.memory_space<vmem_shared>>) target_semaphore(%run_scoped3A_74 : memref<!tpu.dma_semaphore, #tpu.memory_space<semaphore_mem>>)
      %dma_wait3A_79 = arith.constant 0 : i32
      %dma_wait3A_80 = tpu.memref_slice %arg11[%add3A_33, %dma_wait3A_79] : memref<10240x128xf32, #tpu.memory_space<vmem_shared>> -> memref<80x128xf32, #tpu.memory_space<vmem_shared>>
      %dma_wait3A_81 = arith.constant 0 : i32
      %dma_wait3A_82 = tpu.memref_slice %arg11[%add3A_33, %dma_wait3A_81] : memref<10240x128xf32, #tpu.memory_space<vmem_shared>> -> memref<80x128xf32, #tpu.memory_space<vmem_shared>>
      tpu.wait_dma2 semaphore(%run_scoped3A_74 : memref<!tpu.dma_semaphore, #tpu.memory_space<semaphore_mem>>) src(%arg9 : memref<80x128xf32, #tpu.memory_space<vmem>>) dst(%dma_wait3A_82 : memref<80x128xf32, #tpu.memory_space<vmem_shared>>)
      tpu.yield
    }) : () -> ()
    %mul3A_34 = arith.constant 640 : i32
    %mul3A_35 = arith.muli %arg1, %mul3A_34 : i32
    %add3A_36 = arith.constant 560 : i32
    %add3A_37 = arith.addi %mul3A_35, %add3A_36 : i32
    "tpu.region"() ({
      %run_scoped3A_74 = tpu.sem_alloc : memref<!tpu.dma_semaphore, #tpu.memory_space<semaphore_mem>>
      %dma_start3A_75 = arith.constant 0 : i32
      %dma_start3A_76 = tpu.memref_slice %arg11[%add3A_37, %dma_start3A_75] : memref<10240x128xf32, #tpu.memory_space<vmem_shared>> -> memref<80x128xf32, #tpu.memory_space<vmem_shared>>
      %dma_start3A_77 = arith.constant 0 : i32
      %dma_start3A_78 = tpu.memref_slice %arg11[%add3A_37, %dma_start3A_77] : memref<10240x128xf32, #tpu.memory_space<vmem_shared>> -> memref<80x128xf32, #tpu.memory_space<vmem_shared>>
      tpu.enqueue_dma source(%arg9 : memref<80x128xf32, #tpu.memory_space<vmem>>) target(%dma_start3A_78 : memref<80x128xf32, #tpu.memory_space<vmem_shared>>) target_semaphore(%run_scoped3A_74 : memref<!tpu.dma_semaphore, #tpu.memory_space<semaphore_mem>>)
      %dma_wait3A_79 = arith.constant 0 : i32
      %dma_wait3A_80 = tpu.memref_slice %arg11[%add3A_37, %dma_wait3A_79] : memref<10240x128xf32, #tpu.memory_space<vmem_shared>> -> memref<80x128xf32, #tpu.memory_space<vmem_shared>>
      %dma_wait3A_81 = arith.constant 0 : i32
      %dma_wait3A_82 = tpu.memref_slice %arg11[%add3A_37, %dma_wait3A_81] : memref<10240x128xf32, #tpu.memory_space<vmem_shared>> -> memref<80x128xf32, #tpu.memory_space<vmem_shared>>
      tpu.wait_dma2 semaphore(%run_scoped3A_74 : memref<!tpu.dma_semaphore, #tpu.memory_space<semaphore_mem>>) src(%arg9 : memref<80x128xf32, #tpu.memory_space<vmem>>) dst(%dma_wait3A_82 : memref<80x128xf32, #tpu.memory_space<vmem_shared>>)
      tpu.yield
    }) : () -> ()
    "tpu.region"() ({
      %run_scoped3A_74 = tpu.sem_alloc : memref<!tpu.dma_semaphore, #tpu.memory_space<semaphore_mem>>
      %dma_start3A_75 = arith.constant 0 : i32
      %dma_start3A_76 = arith.constant 0 : i32
      %dma_start3A_77 = tpu.memref_slice %arg4[%add3A, %dma_start3A_75, %dma_start3A_76] : memref<32x125x80xi32, #tpu.memory_space<hbm>> -> memref<1x125x80xi32, #tpu.memory_space<hbm>>
      %dma_start3A_78 = tpu.memref_squeeze %dma_start3A_77 : memref<1x125x80xi32, #tpu.memory_space<hbm>> -> memref<125x80xi32, #tpu.memory_space<hbm>>
      %dma_start3A_79 = arith.constant 0 : i32
      %dma_start3A_80 = arith.constant 0 : i32
      %dma_start3A_81 = tpu.memref_slice %arg4[%add3A, %dma_start3A_79, %dma_start3A_80] : memref<32x125x80xi32, #tpu.memory_space<hbm>> -> memref<1x125x80xi32, #tpu.memory_space<hbm>>
      %dma_start3A_82 = tpu.memref_squeeze %dma_start3A_81 : memref<1x125x80xi32, #tpu.memory_space<hbm>> -> memref<125x80xi32, #tpu.memory_space<hbm>>
      tpu.enqueue_dma source(%dma_start3A_82 : memref<125x80xi32, #tpu.memory_space<hbm>>) target(%arg6 : memref<125x80xi32, #tpu.memory_space<vmem>>) target_semaphore(%run_scoped3A_74 : memref<!tpu.dma_semaphore, #tpu.memory_space<semaphore_mem>>)
      %dma_wait3A_83 = arith.constant 0 : i32
      %dma_wait3A_84 = arith.constant 0 : i32
      %dma_wait3A_85 = tpu.memref_slice %arg4[%add3A, %dma_wait3A_83, %dma_wait3A_84] : memref<32x125x80xi32, #tpu.memory_space<hbm>> -> memref<1x125x80xi32, #tpu.memory_space<hbm>>
      %dma_wait3A_86 = tpu.memref_squeeze %dma_wait3A_85 : memref<1x125x80xi32, #tpu.memory_space<hbm>> -> memref<125x80xi32, #tpu.memory_space<hbm>>
      %dma_wait3A_87 = arith.constant 0 : i32
      %dma_wait3A_88 = arith.constant 0 : i32
      %dma_wait3A_89 = tpu.memref_slice %arg4[%add3A, %dma_wait3A_87, %dma_wait3A_88] : memref<32x125x80xi32, #tpu.memory_space<hbm>> -> memref<1x125x80xi32, #tpu.memory_space<hbm>>
      %dma_wait3A_90 = tpu.memref_squeeze %dma_wait3A_89 : memref<1x125x80xi32, #tpu.memory_space<hbm>> -> memref<125x80xi32, #tpu.memory_space<hbm>>
      tpu.wait_dma2 semaphore(%run_scoped3A_74 : memref<!tpu.dma_semaphore, #tpu.memory_space<semaphore_mem>>) src(%dma_wait3A_90 : memref<125x80xi32, #tpu.memory_space<hbm>>) dst(%arg6 : memref<125x80xi32, #tpu.memory_space<vmem>>)
      tpu.yield
    }) : () -> ()
    %dma_start3A = arith.constant 0 : i32
    %dma_start3A_38 = arith.constant 0 : i32
    %dma_start3A_39 = tpu.memref_slice %arg3[%add3A, %dma_start3A, %dma_start3A_38] : memref<32x125x80xi32, #tpu.memory_space<hbm>> -> memref<1x1x80xi32, #tpu.memory_space<hbm>>
    %dma_start3A_40 = tpu.memref_squeeze %dma_start3A_39 : memref<1x1x80xi32, #tpu.memory_space<hbm>> -> memref<80xi32, #tpu.memory_space<hbm>>
    %dma_start3A_41 = arith.constant 0 : i32
    %dma_start3A_42 = tpu.memref_slice %arg3[%add3A, %dma_start3A, %dma_start3A_41] : memref<32x125x80xi32, #tpu.memory_space<hbm>> -> memref<1x1x80xi32, #tpu.memory_space<hbm>>
    %dma_start3A_43 = tpu.memref_squeeze %dma_start3A_42 : memref<1x1x80xi32, #tpu.memory_space<hbm>> -> memref<80xi32, #tpu.memory_space<hbm>>
    tpu.enqueue_dma source(%dma_start3A_43 : memref<80xi32, #tpu.memory_space<hbm>>) target(%arg7 : memref<80xi32, #tpu.memory_space<vmem>>) target_semaphore(%arg14 : memref<!tpu.dma_semaphore, #tpu.memory_space<semaphore_mem>>)
    %dma_start3A_44 = arith.constant 1 : i32
    %dma_start3A_45 = arith.constant 0 : i32
    %dma_start3A_46 = tpu.memref_slice %arg3[%add3A, %dma_start3A_44, %dma_start3A_45] : memref<32x125x80xi32, #tpu.memory_space<hbm>> -> memref<1x1x80xi32, #tpu.memory_space<hbm>>
    %dma_start3A_47 = tpu.memref_squeeze %dma_start3A_46 : memref<1x1x80xi32, #tpu.memory_space<hbm>> -> memref<80xi32, #tpu.memory_space<hbm>>
    %dma_start3A_48 = arith.constant 0 : i32
    %dma_start3A_49 = tpu.memref_slice %arg3[%add3A, %dma_start3A_44, %dma_start3A_48] : memref<32x125x80xi32, #tpu.memory_space<hbm>> -> memref<1x1x80xi32, #tpu.memory_space<hbm>>
    %dma_start3A_50 = tpu.memref_squeeze %dma_start3A_49 : memref<1x1x80xi32, #tpu.memory_space<hbm>> -> memref<80xi32, #tpu.memory_space<hbm>>
    tpu.enqueue_dma source(%dma_start3A_50 : memref<80xi32, #tpu.memory_space<hbm>>) target(%arg8 : memref<80xi32, #tpu.memory_space<vmem>>) target_semaphore(%arg15 : memref<!tpu.dma_semaphore, #tpu.memory_space<semaphore_mem>>)
    %barrier3A = arith.constant 0 : index
    tpu.barrier barrier_id(%barrier3A)
    %dma_wait3A = arith.constant 0 : i32
    %dma_wait3A_51 = arith.constant 0 : i32
    %dma_wait3A_52 = tpu.memref_slice %arg3[%add3A, %dma_wait3A, %dma_wait3A_51] : memref<32x125x80xi32, #tpu.memory_space<hbm>> -> memref<1x1x80xi32, #tpu.memory_space<hbm>>
    %dma_wait3A_53 = tpu.memref_squeeze %dma_wait3A_52 : memref<1x1x80xi32, #tpu.memory_space<hbm>> -> memref<80xi32, #tpu.memory_space<hbm>>
    %dma_wait3A_54 = arith.constant 0 : i32
    %dma_wait3A_55 = tpu.memref_slice %arg3[%add3A, %dma_wait3A, %dma_wait3A_54] : memref<32x125x80xi32, #tpu.memory_space<hbm>> -> memref<1x1x80xi32, #tpu.memory_space<hbm>>
    %dma_wait3A_56 = tpu.memref_squeeze %dma_wait3A_55 : memref<1x1x80xi32, #tpu.memory_space<hbm>> -> memref<80xi32, #tpu.memory_space<hbm>>
    tpu.wait_dma2 semaphore(%arg14 : memref<!tpu.dma_semaphore, #tpu.memory_space<semaphore_mem>>) src(%dma_wait3A_56 : memref<80xi32, #tpu.memory_space<hbm>>) dst(%arg7 : memref<80xi32, #tpu.memory_space<vmem>>)
    %dma_start3A_57 = arith.constant 0 : i32
    %dma_start3A_58 = arith.constant 0 : i32
    %dma_start3A_59 = tpu.memref_slice %arg2[%dma_start3A_57, %dma_start3A_58] : memref<10240x128xf32, #tpu.memory_space<hbm>> -> memref<10240x128xf32, #tpu.memory_space<hbm>>
    tpu.enqueue_indirect_dma source(%dma_start3A_59 : memref<10240x128xf32, #tpu.memory_space<hbm>>) target(%arg9 : memref<80x128xf32, #tpu.memory_space<vmem>>) offsets(%arg7 : memref<80xi32, #tpu.memory_space<vmem>>) semaphore(%arg12 : memref<!tpu.dma_semaphore, #tpu.memory_space<semaphore_mem>>)
    %scan3A_60 = arith.constant 0 : i32
    %scan3A_61 = arith.constant 0 : i32
    %scan3A_62 = arith.constant 62 : i32
    %scan3A_63 = arith.addi %scan3A_61, %scan3A_62 : i32
    %scan3A_64 = arith.constant 1 : i32
    scf.for %scan3A_74 = %scan3A_61 to %scan3A_63 step %scan3A_64  : i32 {
      %mul3A_75 = arith.constant 2 : i32
      %mul3A_76 = arith.muli %scan3A_74, %mul3A_75 : i32
      %add3A_77 = arith.constant 1 : i32
      %add3A_78 = arith.addi %mul3A_76, %add3A_77 : i32
      %dma_wait3A_79 = arith.constant 0 : i32
      %dma_wait3A_80 = tpu.memref_slice %arg3[%add3A, %add3A_78, %dma_wait3A_79] : memref<32x125x80xi32, #tpu.memory_space<hbm>> -> memref<1x1x80xi32, #tpu.memory_space<hbm>>
      %dma_wait3A_81 = tpu.memref_squeeze %dma_wait3A_80 : memref<1x1x80xi32, #tpu.memory_space<hbm>> -> memref<80xi32, #tpu.memory_space<hbm>>
      %dma_wait3A_82 = arith.constant 0 : i32
      %dma_wait3A_83 = tpu.memref_slice %arg3[%add3A, %add3A_78, %dma_wait3A_82] : memref<32x125x80xi32, #tpu.memory_space<hbm>> -> memref<1x1x80xi32, #tpu.memory_space<hbm>>
      %dma_wait3A_84 = tpu.memref_squeeze %dma_wait3A_83 : memref<1x1x80xi32, #tpu.memory_space<hbm>> -> memref<80xi32, #tpu.memory_space<hbm>>
      tpu.wait_dma2 semaphore(%arg15 : memref<!tpu.dma_semaphore, #tpu.memory_space<semaphore_mem>>) src(%dma_wait3A_84 : memref<80xi32, #tpu.memory_space<hbm>>) dst(%arg8 : memref<80xi32, #tpu.memory_space<vmem>>)
      %dma_start3A_85 = arith.constant 0 : i32
      %dma_start3A_86 = arith.constant 0 : i32
      %dma_start3A_87 = tpu.memref_slice %arg2[%dma_start3A_85, %dma_start3A_86] : memref<10240x128xf32, #tpu.memory_space<hbm>> -> memref<10240x128xf32, #tpu.memory_space<hbm>>
      tpu.enqueue_indirect_dma source(%dma_start3A_87 : memref<10240x128xf32, #tpu.memory_space<hbm>>) target(%arg10 : memref<80x128xf32, #tpu.memory_space<vmem>>) offsets(%arg8 : memref<80xi32, #tpu.memory_space<vmem>>) semaphore(%arg13 : memref<!tpu.dma_semaphore, #tpu.memory_space<semaphore_mem>>)
      %dma_wait3A_88 = arith.constant 0 : i32
      %dma_wait3A_89 = arith.constant 0 : i32
      %dma_wait3A_90 = tpu.memref_slice %arg2[%dma_wait3A_88, %dma_wait3A_89] : memref<10240x128xf32, #tpu.memory_space<hbm>> -> memref<10240x128xf32, #tpu.memory_space<hbm>>
      tpu.wait_indirect_dma semaphore(%arg12 : memref<!tpu.dma_semaphore, #tpu.memory_space<semaphore_mem>>) src(%dma_wait3A_90 : memref<10240x128xf32, #tpu.memory_space<hbm>>) dst(%arg9 : memref<80x128xf32, #tpu.memory_space<vmem>>)
      %add3A_91 = arith.constant 2 : i32
      %add3A_92 = arith.addi %mul3A_76, %add3A_91 : i32
      %lt3A = arith.constant 125 : i32
      %lt3A_93 = arith.cmpi slt, %add3A_92, %lt3A : i32
      %convert_element_type3A = arith.extui %lt3A_93 : i1 to i32
      %cond3A = arith.constant 0 : i32
      %cond3A_94 = arith.cmpi ne, %convert_element_type3A, %cond3A : i32
      scf.if %cond3A_94 {
        %add3A_112 = arith.constant 2 : i32
        %add3A_113 = arith.addi %mul3A_76, %add3A_112 : i32
        %dma_start3A_114 = arith.constant 0 : i32
        %dma_start3A_115 = tpu.memref_slice %arg3[%add3A, %add3A_113, %dma_start3A_114] : memref<32x125x80xi32, #tpu.memory_space<hbm>> -> memref<1x1x80xi32, #tpu.memory_space<hbm>>
        %dma_start3A_116 = tpu.memref_squeeze %dma_start3A_115 : memref<1x1x80xi32, #tpu.memory_space<hbm>> -> memref<80xi32, #tpu.memory_space<hbm>>
        %dma_start3A_117 = arith.constant 0 : i32
        %dma_start3A_118 = tpu.memref_slice %arg3[%add3A, %add3A_113, %dma_start3A_117] : memref<32x125x80xi32, #tpu.memory_space<hbm>> -> memref<1x1x80xi32, #tpu.memory_space<hbm>>
        %dma_start3A_119 = tpu.memref_squeeze %dma_start3A_118 : memref<1x1x80xi32, #tpu.memory_space<hbm>> -> memref<80xi32, #tpu.memory_space<hbm>>
        tpu.enqueue_dma source(%dma_start3A_119 : memref<80xi32, #tpu.memory_space<hbm>>) target(%arg7 : memref<80xi32, #tpu.memory_space<vmem>>) target_semaphore(%arg14 : memref<!tpu.dma_semaphore, #tpu.memory_space<semaphore_mem>>)
      } else {
      }
      "tpu.region"() ({
        %run_scoped3A_112 = tpu.sem_alloc : memref<!tpu.dma_semaphore, #tpu.memory_space<semaphore_mem>>
        %dma_start3A_113 = arith.constant 0 : i32
        %dma_start3A_114 = tpu.memref_slice %arg6[%mul3A_76, %dma_start3A_113] : memref<125x80xi32, #tpu.memory_space<vmem>> -> memref<1x80xi32, #tpu.memory_space<vmem>>
        %dma_start3A_115 = tpu.memref_squeeze %dma_start3A_114 : memref<1x80xi32, #tpu.memory_space<vmem>> -> memref<80xi32, #tpu.memory_space<vmem>>
        %dma_start3A_116 = arith.constant 0 : i32
        %dma_start3A_117 = arith.constant 0 : i32
        %dma_start3A_118 = tpu.memref_slice %arg11[%dma_start3A_116, %dma_start3A_117] : memref<10240x128xf32, #tpu.memory_space<vmem_shared>> -> memref<10240x128xf32, #tpu.memory_space<vmem_shared>>
        tpu.enqueue_indirect_dma source(%arg9 : memref<80x128xf32, #tpu.memory_space<vmem>>) target(%dma_start3A_118 : memref<10240x128xf32, #tpu.memory_space<vmem_shared>>) offsets(%dma_start3A_115 : memref<80xi32, #tpu.memory_space<vmem>>) semaphore(%run_scoped3A_112 : memref<!tpu.dma_semaphore, #tpu.memory_space<semaphore_mem>>) {add = true}
        %dma_wait3A_119 = arith.constant 0 : i32
        %dma_wait3A_120 = tpu.memref_slice %arg6[%mul3A_76, %dma_wait3A_119] : memref<125x80xi32, #tpu.memory_space<vmem>> -> memref<1x80xi32, #tpu.memory_space<vmem>>
        %dma_wait3A_121 = tpu.memref_squeeze %dma_wait3A_120 : memref<1x80xi32, #tpu.memory_space<vmem>> -> memref<80xi32, #tpu.memory_space<vmem>>
        %dma_wait3A_122 = arith.constant 0 : i32
        %dma_wait3A_123 = arith.constant 0 : i32
        %dma_wait3A_124 = tpu.memref_slice %arg11[%dma_wait3A_122, %dma_wait3A_123] : memref<10240x128xf32, #tpu.memory_space<vmem_shared>> -> memref<10240x128xf32, #tpu.memory_space<vmem_shared>>
        tpu.wait_indirect_dma semaphore(%run_scoped3A_112 : memref<!tpu.dma_semaphore, #tpu.memory_space<semaphore_mem>>) src(%arg9 : memref<80x128xf32, #tpu.memory_space<vmem>>) dst(%dma_wait3A_124 : memref<10240x128xf32, #tpu.memory_space<vmem_shared>>)
        tpu.yield
      }) : () -> ()
      %add3A_95 = arith.constant 2 : i32
      %add3A_96 = arith.addi %mul3A_76, %add3A_95 : i32
      %lt3A_97 = arith.constant 125 : i32
      %lt3A_98 = arith.cmpi slt, %add3A_96, %lt3A_97 : i32
      %convert_element_type3A_99 = arith.extui %lt3A_98 : i1 to i32
      %cond3A_100 = arith.constant 0 : i32
      %cond3A_101 = arith.cmpi ne, %convert_element_type3A_99, %cond3A_100 : i32
      scf.if %cond3A_101 {
        %add3A_112 = arith.constant 2 : i32
        %add3A_113 = arith.addi %mul3A_76, %add3A_112 : i32
        %dma_wait3A_114 = arith.constant 0 : i32
        %dma_wait3A_115 = tpu.memref_slice %arg3[%add3A, %add3A_113, %dma_wait3A_114] : memref<32x125x80xi32, #tpu.memory_space<hbm>> -> memref<1x1x80xi32, #tpu.memory_space<hbm>>
        %dma_wait3A_116 = tpu.memref_squeeze %dma_wait3A_115 : memref<1x1x80xi32, #tpu.memory_space<hbm>> -> memref<80xi32, #tpu.memory_space<hbm>>
        %dma_wait3A_117 = arith.constant 0 : i32
        %dma_wait3A_118 = tpu.memref_slice %arg3[%add3A, %add3A_113, %dma_wait3A_117] : memref<32x125x80xi32, #tpu.memory_space<hbm>> -> memref<1x1x80xi32, #tpu.memory_space<hbm>>
        %dma_wait3A_119 = tpu.memref_squeeze %dma_wait3A_118 : memref<1x1x80xi32, #tpu.memory_space<hbm>> -> memref<80xi32, #tpu.memory_space<hbm>>
        tpu.wait_dma2 semaphore(%arg14 : memref<!tpu.dma_semaphore, #tpu.memory_space<semaphore_mem>>) src(%dma_wait3A_119 : memref<80xi32, #tpu.memory_space<hbm>>) dst(%arg7 : memref<80xi32, #tpu.memory_space<vmem>>)
        %dma_start3A_120 = arith.constant 0 : i32
        %dma_start3A_121 = arith.constant 0 : i32
        %dma_start3A_122 = tpu.memref_slice %arg2[%dma_start3A_120, %dma_start3A_121] : memref<10240x128xf32, #tpu.memory_space<hbm>> -> memref<10240x128xf32, #tpu.memory_space<hbm>>
        tpu.enqueue_indirect_dma source(%dma_start3A_122 : memref<10240x128xf32, #tpu.memory_space<hbm>>) target(%arg9 : memref<80x128xf32, #tpu.memory_space<vmem>>) offsets(%arg7 : memref<80xi32, #tpu.memory_space<vmem>>) semaphore(%arg12 : memref<!tpu.dma_semaphore, #tpu.memory_space<semaphore_mem>>)
      } else {
      }
      %add3A_102 = arith.constant 2 : i32
      %add3A_103 = arith.addi %add3A_78, %add3A_102 : i32
      %lt3A_104 = arith.constant 125 : i32
      %lt3A_105 = arith.cmpi slt, %add3A_103, %lt3A_104 : i32
      %convert_element_type3A_106 = arith.extui %lt3A_105 : i1 to i32
      %cond3A_107 = arith.constant 0 : i32
      %cond3A_108 = arith.cmpi ne, %convert_element_type3A_106, %cond3A_107 : i32
      scf.if %cond3A_108 {
        %add3A_112 = arith.constant 2 : i32
        %add3A_113 = arith.addi %add3A_78, %add3A_112 : i32
        %dma_start3A_114 = arith.constant 0 : i32
        %dma_start3A_115 = tpu.memref_slice %arg3[%add3A, %add3A_113, %dma_start3A_114] : memref<32x125x80xi32, #tpu.memory_space<hbm>> -> memref<1x1x80xi32, #tpu.memory_space<hbm>>
        %dma_start3A_116 = tpu.memref_squeeze %dma_start3A_115 : memref<1x1x80xi32, #tpu.memory_space<hbm>> -> memref<80xi32, #tpu.memory_space<hbm>>
        %dma_start3A_117 = arith.constant 0 : i32
        %dma_start3A_118 = tpu.memref_slice %arg3[%add3A, %add3A_113, %dma_start3A_117] : memref<32x125x80xi32, #tpu.memory_space<hbm>> -> memref<1x1x80xi32, #tpu.memory_space<hbm>>
        %dma_start3A_119 = tpu.memref_squeeze %dma_start3A_118 : memref<1x1x80xi32, #tpu.memory_space<hbm>> -> memref<80xi32, #tpu.memory_space<hbm>>
        tpu.enqueue_dma source(%dma_start3A_119 : memref<80xi32, #tpu.memory_space<hbm>>) target(%arg8 : memref<80xi32, #tpu.memory_space<vmem>>) target_semaphore(%arg15 : memref<!tpu.dma_semaphore, #tpu.memory_space<semaphore_mem>>)
      } else {
      }
      %dma_wait3A_109 = arith.constant 0 : i32
      %dma_wait3A_110 = arith.constant 0 : i32
      %dma_wait3A_111 = tpu.memref_slice %arg2[%dma_wait3A_109, %dma_wait3A_110] : memref<10240x128xf32, #tpu.memory_space<hbm>> -> memref<10240x128xf32, #tpu.memory_space<hbm>>
      tpu.wait_indirect_dma semaphore(%arg13 : memref<!tpu.dma_semaphore, #tpu.memory_space<semaphore_mem>>) src(%dma_wait3A_111 : memref<10240x128xf32, #tpu.memory_space<hbm>>) dst(%arg10 : memref<80x128xf32, #tpu.memory_space<vmem>>)
      "tpu.region"() ({
        %run_scoped3A_112 = tpu.sem_alloc : memref<!tpu.dma_semaphore, #tpu.memory_space<semaphore_mem>>
        %dma_start3A_113 = arith.constant 0 : i32
        %dma_start3A_114 = tpu.memref_slice %arg6[%add3A_78, %dma_start3A_113] : memref<125x80xi32, #tpu.memory_space<vmem>> -> memref<1x80xi32, #tpu.memory_space<vmem>>
        %dma_start3A_115 = tpu.memref_squeeze %dma_start3A_114 : memref<1x80xi32, #tpu.memory_space<vmem>> -> memref<80xi32, #tpu.memory_space<vmem>>
        %dma_start3A_116 = arith.constant 0 : i32
        %dma_start3A_117 = arith.constant 0 : i32
        %dma_start3A_118 = tpu.memref_slice %arg11[%dma_start3A_116, %dma_start3A_117] : memref<10240x128xf32, #tpu.memory_space<vmem_shared>> -> memref<10240x128xf32, #tpu.memory_space<vmem_shared>>
        tpu.enqueue_indirect_dma source(%arg10 : memref<80x128xf32, #tpu.memory_space<vmem>>) target(%dma_start3A_118 : memref<10240x128xf32, #tpu.memory_space<vmem_shared>>) offsets(%dma_start3A_115 : memref<80xi32, #tpu.memory_space<vmem>>) semaphore(%run_scoped3A_112 : memref<!tpu.dma_semaphore, #tpu.memory_space<semaphore_mem>>) {add = true}
        %dma_wait3A_119 = arith.constant 0 : i32
        %dma_wait3A_120 = tpu.memref_slice %arg6[%add3A_78, %dma_wait3A_119] : memref<125x80xi32, #tpu.memory_space<vmem>> -> memref<1x80xi32, #tpu.memory_space<vmem>>
        %dma_wait3A_121 = tpu.memref_squeeze %dma_wait3A_120 : memref<1x80xi32, #tpu.memory_space<vmem>> -> memref<80xi32, #tpu.memory_space<vmem>>
        %dma_wait3A_122 = arith.constant 0 : i32
        %dma_wait3A_123 = arith.constant 0 : i32
        %dma_wait3A_124 = tpu.memref_slice %arg11[%dma_wait3A_122, %dma_wait3A_123] : memref<10240x128xf32, #tpu.memory_space<vmem_shared>> -> memref<10240x128xf32, #tpu.memory_space<vmem_shared>>
        tpu.wait_indirect_dma semaphore(%run_scoped3A_112 : memref<!tpu.dma_semaphore, #tpu.memory_space<semaphore_mem>>) src(%arg10 : memref<80x128xf32, #tpu.memory_space<vmem>>) dst(%dma_wait3A_124 : memref<10240x128xf32, #tpu.memory_space<vmem_shared>>)
        tpu.yield
      }) : () -> ()
    }
    %scan3A_65 = arith.constant 62 : i32
    %dma_wait3A_66 = arith.constant 0 : i32
    %dma_wait3A_67 = arith.constant 0 : i32
    %dma_wait3A_68 = tpu.memref_slice %arg2[%dma_wait3A_66, %dma_wait3A_67] : memref<10240x128xf32, #tpu.memory_space<hbm>> -> memref<10240x128xf32, #tpu.memory_space<hbm>>
    tpu.wait_indirect_dma semaphore(%arg12 : memref<!tpu.dma_semaphore, #tpu.memory_space<semaphore_mem>>) src(%dma_wait3A_68 : memref<10240x128xf32, #tpu.memory_space<hbm>>) dst(%arg9 : memref<80x128xf32, #tpu.memory_space<vmem>>)
    %run_scoped3A = arith.constant 124 : i32
    "tpu.region"() ({
      %run_scoped3A_74 = tpu.sem_alloc : memref<!tpu.dma_semaphore, #tpu.memory_space<semaphore_mem>>
      %dma_start3A_75 = arith.constant 0 : i32
      %dma_start3A_76 = tpu.memref_slice %arg6[%run_scoped3A, %dma_start3A_75] : memref<125x80xi32, #tpu.memory_space<vmem>> -> memref<1x80xi32, #tpu.memory_space<vmem>>
      %dma_start3A_77 = tpu.memref_squeeze %dma_start3A_76 : memref<1x80xi32, #tpu.memory_space<vmem>> -> memref<80xi32, #tpu.memory_space<vmem>>
      %dma_start3A_78 = arith.constant 0 : i32
      %dma_start3A_79 = arith.constant 0 : i32
      %dma_start3A_80 = tpu.memref_slice %arg11[%dma_start3A_78, %dma_start3A_79] : memref<10240x128xf32, #tpu.memory_space<vmem_shared>> -> memref<10240x128xf32, #tpu.memory_space<vmem_shared>>
      tpu.enqueue_indirect_dma source(%arg9 : memref<80x128xf32, #tpu.memory_space<vmem>>) target(%dma_start3A_80 : memref<10240x128xf32, #tpu.memory_space<vmem_shared>>) offsets(%dma_start3A_77 : memref<80xi32, #tpu.memory_space<vmem>>) semaphore(%run_scoped3A_74 : memref<!tpu.dma_semaphore, #tpu.memory_space<semaphore_mem>>) {add = true}
      %dma_wait3A_81 = arith.constant 0 : i32
      %dma_wait3A_82 = tpu.memref_slice %arg6[%run_scoped3A, %dma_wait3A_81] : memref<125x80xi32, #tpu.memory_space<vmem>> -> memref<1x80xi32, #tpu.memory_space<vmem>>
      %dma_wait3A_83 = tpu.memref_squeeze %dma_wait3A_82 : memref<1x80xi32, #tpu.memory_space<vmem>> -> memref<80xi32, #tpu.memory_space<vmem>>
      %dma_wait3A_84 = arith.constant 0 : i32
      %dma_wait3A_85 = arith.constant 0 : i32
      %dma_wait3A_86 = tpu.memref_slice %arg11[%dma_wait3A_84, %dma_wait3A_85] : memref<10240x128xf32, #tpu.memory_space<vmem_shared>> -> memref<10240x128xf32, #tpu.memory_space<vmem_shared>>
      tpu.wait_indirect_dma semaphore(%run_scoped3A_74 : memref<!tpu.dma_semaphore, #tpu.memory_space<semaphore_mem>>) src(%arg9 : memref<80x128xf32, #tpu.memory_space<vmem>>) dst(%dma_wait3A_86 : memref<10240x128xf32, #tpu.memory_space<vmem_shared>>)
      tpu.yield
    }) : () -> ()
    %barrier3A_69 = arith.constant 0 : index
    tpu.barrier barrier_id(%barrier3A_69)
    %mul3A_70 = arith.constant 640 : i32
    %mul3A_71 = arith.muli %arg1, %mul3A_70 : i32
    %mul3A_72 = arith.constant 640 : i32
    %mul3A_73 = arith.muli %arg1, %mul3A_72 : i32
    "tpu.region"() ({
      %run_scoped3A_74 = tpu.sem_alloc : memref<!tpu.dma_semaphore, #tpu.memory_space<semaphore_mem>>
      %dma_start3A_75 = arith.constant 0 : i32
      %dma_start3A_76 = tpu.memref_slice %arg5[%arg0, %mul3A_73, %dma_start3A_75] : memref<2x10240x128xf32, #tpu.memory_space<hbm>> -> memref<1x640x128xf32, #tpu.memory_space<hbm>>
      %dma_start3A_77 = tpu.memref_squeeze %dma_start3A_76 : memref<1x640x128xf32, #tpu.memory_space<hbm>> -> memref<640x128xf32, #tpu.memory_space<hbm>>
      %dma_start3A_78 = arith.constant 0 : i32
      %dma_start3A_79 = tpu.memref_slice %arg11[%mul3A_71, %dma_start3A_78] : memref<10240x128xf32, #tpu.memory_space<vmem_shared>> -> memref<640x128xf32, #tpu.memory_space<vmem_shared>>
      tpu.enqueue_dma source(%dma_start3A_79 : memref<640x128xf32, #tpu.memory_space<vmem_shared>>) target(%dma_start3A_77 : memref<640x128xf32, #tpu.memory_space<hbm>>) target_semaphore(%run_scoped3A_74 : memref<!tpu.dma_semaphore, #tpu.memory_space<semaphore_mem>>)
      %dma_wait3A_80 = arith.constant 0 : i32
      %dma_wait3A_81 = tpu.memref_slice %arg5[%arg0, %mul3A_73, %dma_wait3A_80] : memref<2x10240x128xf32, #tpu.memory_space<hbm>> -> memref<1x640x128xf32, #tpu.memory_space<hbm>>
      %dma_wait3A_82 = tpu.memref_squeeze %dma_wait3A_81 : memref<1x640x128xf32, #tpu.memory_space<hbm>> -> memref<640x128xf32, #tpu.memory_space<hbm>>
      %dma_wait3A_83 = arith.constant 0 : i32
      %dma_wait3A_84 = tpu.memref_slice %arg11[%mul3A_71, %dma_wait3A_83] : memref<10240x128xf32, #tpu.memory_space<vmem_shared>> -> memref<640x128xf32, #tpu.memory_space<vmem_shared>>
      tpu.wait_dma2 semaphore(%run_scoped3A_74 : memref<!tpu.dma_semaphore, #tpu.memory_space<semaphore_mem>>) src(%dma_wait3A_84 : memref<640x128xf32, #tpu.memory_space<vmem_shared>>) dst(%dma_wait3A_82 : memref<640x128xf32, #tpu.memory_space<hbm>>)
      tpu.yield
    }) : () -> ()
    return
  }
}

module attributes {stable_mosaic.version = 14 : i64} {
  func.func @_tc1_body(%arg0: i32, %arg1: memref<2x10240xf32, #tpu.memory_space<vmem>>, %arg2: memref<1024x128xf32, #tpu.memory_space<vmem>>, %arg3: memref<128x128xf32, #tpu.memory_space<vmem>>, %arg4: memref<1024x128xf32, #tpu.memory_space<vmem>>) attributes {dimension_semantics = [#tpu.dimension_semantics<arbitrary>], iteration_bounds = array<i64: 10>, scalar_prefetch = 0 : i64, scratch_operands = 0 : i64, tpu.core_type = #tpu.core_type<tc>, window_params = [{pipeline_mode = #tpu.pipeline_mode<synchronous>, transform_indices = @transform_0, window_bounds = array<i64: 2, 10240>}, {transform_indices = @transform_1, window_bounds = array<i64: 1024, 128>}, {pipeline_mode = #tpu.pipeline_mode<synchronous>, transform_indices = @transform_2, window_bounds = array<i64: 128, 128>}, {transform_indices = @transform_3, window_bounds = array<i64: 1024, 128>}]} {
    %mul3A = arith.constant 1024 : i32
    %mul3A_0 = arith.muli %arg0, %mul3A : i32
    %get3A = arith.constant 0 : index
    %get3A_1 = arith.index_cast %mul3A_0 : i32 to index
    %get3A_2 = vector.load %arg1[%get3A, %get3A_1] : memref<2x10240xf32, #tpu.memory_space<vmem>>, vector<1x1024xf32>
    %mul3A_3 = arith.constant 1024 : i32
    %mul3A_4 = arith.muli %arg0, %mul3A_3 : i32
    %get3A_5 = arith.constant 1 : index
    %get3A_6 = arith.index_cast %mul3A_4 : i32 to index
    %get3A_7 = vector.load %arg1[%get3A_5, %get3A_6] : memref<2x10240xf32, #tpu.memory_space<vmem>>, vector<1x1024xf32>
    %add3A = arith.addf %get3A_2, %get3A_7 : vector<1x1024xf32>
    %max3A = arith.constant 1.000000e+00 : f32
    %max3A_8 = vector.broadcast %max3A : f32 to vector<1x1024xf32>
    %max3A_9 = arith.maximumf %add3A, %max3A_8 : vector<1x1024xf32>
    %rsqrt3A = math.rsqrt %max3A_9 : vector<1x1024xf32>
    %transpose3A = tpu.transpose %rsqrt3A, [1, 0] : vector<1x1024xf32> -> vector<1024x1xf32>
    %get3A_10 = arith.constant 0 : index
    %get3A_11 = arith.constant 0 : index
    %get3A_12 = vector.load %arg2[%get3A_10, %get3A_11] : memref<1024x128xf32, #tpu.memory_space<vmem>>, vector<1024x128xf32>
    %get3A_13 = arith.constant 0 : index
    %get3A_14 = arith.constant 0 : index
    %get3A_15 = vector.load %arg3[%get3A_13, %get3A_14] : memref<128x128xf32, #tpu.memory_space<vmem>>, vector<128x128xf32>
    %dot_general3A = arith.constant dense<0.000000e+00> : vector<1024x128xf32>
    %dot_general3A_16 = tpu.matmul %get3A_12, %get3A_15, %dot_general3A {dimension_numbers = #tpu.dot_dimension_numbers<[1], [0], [0], [1], [0, 0, 1, 1], [], []>, transpose_lhs_hint = false} : vector<1024x128xf32>, vector<128x128xf32>, vector<1024x128xf32> -> vector<1024x128xf32>
    %mul3A_17 = vector.broadcast %transpose3A : vector<1024x1xf32> to vector<1024x128xf32>
    %mul3A_18 = arith.mulf %dot_general3A_16, %mul3A_17 : vector<1024x128xf32>
    %swap3A = arith.constant 0 : index
    %swap3A_19 = arith.constant 0 : index
    %swap3A_20 = vector.load %arg4[%swap3A, %swap3A_19] : memref<1024x128xf32, #tpu.memory_space<vmem>>, vector<1024x128xf32>
    tpu.vector_store %arg4[%swap3A, %swap3A_19], %mul3A_18 {strides = array<i32>} : memref<1024x128xf32, #tpu.memory_space<vmem>>, vector<1024x128xf32>,
    return
  }
  func.func @transform_0(%arg0: i32) -> (i32, i32) {
    %c0_i32 = arith.constant 0 : i32
    %c0_i32_0 = arith.constant 0 : i32
    %c0_i32_1 = arith.constant 0 : i32
    return %c0_i32, %c0_i32_0 : i32, i32
  }
  func.func @transform_1(%arg0: i32) -> (i32, i32) {
    %c0_i32 = arith.constant 0 : i32
    %c0_i32_0 = arith.constant 0 : i32
    return %arg0, %c0_i32 : i32, i32
  }
  func.func @transform_2(%arg0: i32) -> (i32, i32) {
    %c0_i32 = arith.constant 0 : i32
    %c0_i32_0 = arith.constant 0 : i32
    %c0_i32_1 = arith.constant 0 : i32
    return %c0_i32, %c0_i32_0 : i32, i32
  }
  func.func @transform_3(%arg0: i32) -> (i32, i32) {
    %c0_i32 = arith.constant 0 : i32
    %c0_i32_0 = arith.constant 0 : i32
    return %arg0, %c0_i32 : i32, i32
  }
}

module attributes {stable_mosaic.version = 14 : i64} {
  func.func @_tc2_body(%arg0: i32, %arg1: memref<2x10240xf32, #tpu.memory_space<vmem>>, %arg2: memref<2x1024x128xf32, #tpu.memory_space<vmem>>, %arg3: memref<1x128xf32, #tpu.memory_space<vmem>>, %arg4: memref<128x128xf32, #tpu.memory_space<vmem>>, %arg5: memref<1024x128xf32, #tpu.memory_space<vmem>>) attributes {dimension_semantics = [#tpu.dimension_semantics<arbitrary>], iteration_bounds = array<i64: 10>, scalar_prefetch = 0 : i64, scratch_operands = 0 : i64, tpu.core_type = #tpu.core_type<tc>, window_params = [{pipeline_mode = #tpu.pipeline_mode<synchronous>, transform_indices = @transform_0, window_bounds = array<i64: 2, 10240>}, {transform_indices = @transform_1, window_bounds = array<i64: 2, 1024, 128>}, {pipeline_mode = #tpu.pipeline_mode<synchronous>, transform_indices = @transform_2, window_bounds = array<i64: 1, 128>}, {pipeline_mode = #tpu.pipeline_mode<synchronous>, transform_indices = @transform_3, window_bounds = array<i64: 128, 128>}, {transform_indices = @transform_4, window_bounds = array<i64: 1024, 128>}]} {
    %mul3A = arith.constant 1024 : i32
    %mul3A_0 = arith.muli %arg0, %mul3A : i32
    %get3A = arith.constant 0 : index
    %get3A_1 = arith.index_cast %mul3A_0 : i32 to index
    %get3A_2 = vector.load %arg1[%get3A, %get3A_1] : memref<2x10240xf32, #tpu.memory_space<vmem>>, vector<1x1024xf32>
    %mul3A_3 = arith.constant 1024 : i32
    %mul3A_4 = arith.muli %arg0, %mul3A_3 : i32
    %get3A_5 = arith.constant 1 : index
    %get3A_6 = arith.index_cast %mul3A_4 : i32 to index
    %get3A_7 = vector.load %arg1[%get3A_5, %get3A_6] : memref<2x10240xf32, #tpu.memory_space<vmem>>, vector<1x1024xf32>
    %add3A = arith.addf %get3A_2, %get3A_7 : vector<1x1024xf32>
    %max3A = arith.constant 1.000000e+00 : f32
    %max3A_8 = vector.broadcast %max3A : f32 to vector<1x1024xf32>
    %max3A_9 = arith.maximumf %add3A, %max3A_8 : vector<1x1024xf32>
    %rsqrt3A = math.rsqrt %max3A_9 : vector<1x1024xf32>
    %transpose3A = tpu.transpose %rsqrt3A, [1, 0] : vector<1x1024xf32> -> vector<1024x1xf32>
    %get3A_10 = arith.constant 0 : index
    %get3A_11 = arith.constant 0 : index
    %get3A_12 = arith.constant 0 : index
    %get3A_13 = vector.load %arg2[%get3A_10, %get3A_11, %get3A_12] : memref<2x1024x128xf32, #tpu.memory_space<vmem>>, vector<1x1024x128xf32>
    %get3A_14 = vector.shape_cast %get3A_13 : vector<1x1024x128xf32> to vector<1024x128xf32>
    %get3A_15 = arith.constant 1 : index
    %get3A_16 = arith.constant 0 : index
    %get3A_17 = arith.constant 0 : index
    %get3A_18 = vector.load %arg2[%get3A_15, %get3A_16, %get3A_17] : memref<2x1024x128xf32, #tpu.memory_space<vmem>>, vector<1x1024x128xf32>
    %get3A_19 = vector.shape_cast %get3A_18 : vector<1x1024x128xf32> to vector<1024x128xf32>
    %add3A_20 = arith.addf %get3A_14, %get3A_19 : vector<1024x128xf32>
    %mul3A_21 = vector.broadcast %transpose3A : vector<1024x1xf32> to vector<1024x128xf32>
    %mul3A_22 = arith.mulf %add3A_20, %mul3A_21 : vector<1024x128xf32>
    %get3A_23 = arith.constant 0 : index
    %get3A_24 = arith.constant 0 : index
    %get3A_25 = vector.load %arg3[%get3A_23, %get3A_24] : memref<1x128xf32, #tpu.memory_space<vmem>>, vector<1x128xf32>
    %add3A_26 = vector.broadcast %get3A_25 : vector<1x128xf32> to vector<1024x128xf32>
    %add3A_27 = arith.addf %mul3A_22, %add3A_26 : vector<1024x128xf32>
    %max3A_28 = arith.constant 0.000000e+00 : f32
    %max3A_29 = vector.broadcast %max3A_28 : f32 to vector<1024x128xf32>
    %max3A_30 = arith.maximumf %add3A_27, %max3A_29 : vector<1024x128xf32>
    %get3A_31 = arith.constant 0 : index
    %get3A_32 = arith.constant 0 : index
    %get3A_33 = vector.load %arg4[%get3A_31, %get3A_32] : memref<128x128xf32, #tpu.memory_space<vmem>>, vector<128x128xf32>
    %dot_general3A = arith.constant dense<0.000000e+00> : vector<1024x128xf32>
    %dot_general3A_34 = tpu.matmul %max3A_30, %get3A_33, %dot_general3A {dimension_numbers = #tpu.dot_dimension_numbers<[1], [0], [0], [1], [0, 0, 1, 1], [], []>, transpose_lhs_hint = false} : vector<1024x128xf32>, vector<128x128xf32>, vector<1024x128xf32> -> vector<1024x128xf32>
    %mul3A_35 = vector.broadcast %transpose3A : vector<1024x1xf32> to vector<1024x128xf32>
    %mul3A_36 = arith.mulf %dot_general3A_34, %mul3A_35 : vector<1024x128xf32>
    %swap3A = arith.constant 0 : index
    %swap3A_37 = arith.constant 0 : index
    %swap3A_38 = vector.load %arg5[%swap3A, %swap3A_37] : memref<1024x128xf32, #tpu.memory_space<vmem>>, vector<1024x128xf32>
    tpu.vector_store %arg5[%swap3A, %swap3A_37], %mul3A_36 {strides = array<i32>} : memref<1024x128xf32, #tpu.memory_space<vmem>>, vector<1024x128xf32>,
    return
  }
  func.func @transform_0(%arg0: i32) -> (i32, i32) {
    %c0_i32 = arith.constant 0 : i32
    %c0_i32_0 = arith.constant 0 : i32
    %c0_i32_1 = arith.constant 0 : i32
    return %c0_i32, %c0_i32_0 : i32, i32
  }
  func.func @transform_1(%arg0: i32) -> (i32, i32, i32) {
    %c0_i32 = arith.constant 0 : i32
    %c0_i32_0 = arith.constant 0 : i32
    %c0_i32_1 = arith.constant 0 : i32
    return %c0_i32, %arg0, %c0_i32_0 : i32, i32, i32
  }
  func.func @transform_2(%arg0: i32) -> (i32, i32) {
    %c0_i32 = arith.constant 0 : i32
    %c0_i32_0 = arith.constant 0 : i32
    %c0_i32_1 = arith.constant 0 : i32
    return %c0_i32, %c0_i32_0 : i32, i32
  }
  func.func @transform_3(%arg0: i32) -> (i32, i32) {
    %c0_i32 = arith.constant 0 : i32
    %c0_i32_0 = arith.constant 0 : i32
    %c0_i32_1 = arith.constant 0 : i32
    return %c0_i32, %c0_i32_0 : i32, i32
  }
  func.func @transform_4(%arg0: i32) -> (i32, i32) {
    %c0_i32 = arith.constant 0 : i32
    %c0_i32_0 = arith.constant 0 : i32
    return %arg0, %c0_i32 : i32, i32
  }
}

module attributes {stable_mosaic.version = 14 : i64} {
  func.func @_tc3_body(%arg0: i32, %arg1: memref<2x10240xf32, #tpu.memory_space<vmem>>, %arg2: memref<2x1024x128xf32, #tpu.memory_space<vmem>>, %arg3: memref<1x128xf32, #tpu.memory_space<vmem>>, %arg4: memref<128x128xf32, #tpu.memory_space<vmem>>, %arg5: memref<1x128xf32, #tpu.memory_space<vmem>>, %arg6: memref<128x128xf32, #tpu.memory_space<vmem>>, %arg7: memref<1x128xf32, #tpu.memory_space<vmem>>, %arg8: memref<128x1xf32, #tpu.memory_space<vmem>>, %arg9: memref<1x1xf32, #tpu.memory_space<vmem>>, %arg10: memref<1x1xf32, #tpu.memory_space<vmem>>, %arg11: memref<1x128xf32, #tpu.memory_space<vmem>>) attributes {dimension_semantics = [#tpu.dimension_semantics<arbitrary>], iteration_bounds = array<i64: 10>, scalar_prefetch = 0 : i64, scratch_operands = 1 : i64, tpu.core_type = #tpu.core_type<tc>, window_params = [{pipeline_mode = #tpu.pipeline_mode<synchronous>, transform_indices = @transform_0, window_bounds = array<i64: 2, 10240>}, {transform_indices = @transform_1, window_bounds = array<i64: 2, 1024, 128>}, {pipeline_mode = #tpu.pipeline_mode<synchronous>, transform_indices = @transform_2, window_bounds = array<i64: 1, 128>}, {pipeline_mode = #tpu.pipeline_mode<synchronous>, transform_indices = @transform_3, window_bounds = array<i64: 128, 128>}, {pipeline_mode = #tpu.pipeline_mode<synchronous>, transform_indices = @transform_4, window_bounds = array<i64: 1, 128>}, {pipeline_mode = #tpu.pipeline_mode<synchronous>, transform_indices = @transform_5, window_bounds = array<i64: 128, 128>}, {pipeline_mode = #tpu.pipeline_mode<synchronous>, transform_indices = @transform_6, window_bounds = array<i64: 1, 128>}, {pipeline_mode = #tpu.pipeline_mode<synchronous>, transform_indices = @transform_7, window_bounds = array<i64: 128, 1>}, {pipeline_mode = #tpu.pipeline_mode<synchronous>, transform_indices = @transform_8, window_bounds = array<i64: 1, 1>}, {pipeline_mode = #tpu.pipeline_mode<synchronous>, transform_indices = @transform_9, window_bounds = array<i64: 1, 1>}]} {
    %mul3A = arith.constant 1024 : i32
    %mul3A_0 = arith.muli %arg0, %mul3A : i32
    %get3A = arith.constant 0 : index
    %get3A_1 = arith.index_cast %mul3A_0 : i32 to index
    %get3A_2 = vector.load %arg1[%get3A, %get3A_1] : memref<2x10240xf32, #tpu.memory_space<vmem>>, vector<1x1024xf32>
    %mul3A_3 = arith.constant 1024 : i32
    %mul3A_4 = arith.muli %arg0, %mul3A_3 : i32
    %get3A_5 = arith.constant 1 : index
    %get3A_6 = arith.index_cast %mul3A_4 : i32 to index
    %get3A_7 = vector.load %arg1[%get3A_5, %get3A_6] : memref<2x10240xf32, #tpu.memory_space<vmem>>, vector<1x1024xf32>
    %add3A = arith.addf %get3A_2, %get3A_7 : vector<1x1024xf32>
    %max3A = arith.constant 1.000000e+00 : f32
    %max3A_8 = vector.broadcast %max3A : f32 to vector<1x1024xf32>
    %max3A_9 = arith.maximumf %add3A, %max3A_8 : vector<1x1024xf32>
    %rsqrt3A = math.rsqrt %max3A_9 : vector<1x1024xf32>
    %transpose3A = tpu.transpose %rsqrt3A, [1, 0] : vector<1x1024xf32> -> vector<1024x1xf32>
    %get3A_10 = arith.constant 0 : index
    %get3A_11 = arith.constant 0 : index
    %get3A_12 = arith.constant 0 : index
    %get3A_13 = vector.load %arg2[%get3A_10, %get3A_11, %get3A_12] : memref<2x1024x128xf32, #tpu.memory_space<vmem>>, vector<1x1024x128xf32>
    %get3A_14 = vector.shape_cast %get3A_13 : vector<1x1024x128xf32> to vector<1024x128xf32>
    %get3A_15 = arith.constant 1 : index
    %get3A_16 = arith.constant 0 : index
    %get3A_17 = arith.constant 0 : index
    %get3A_18 = vector.load %arg2[%get3A_15, %get3A_16, %get3A_17] : memref<2x1024x128xf32, #tpu.memory_space<vmem>>, vector<1x1024x128xf32>
    %get3A_19 = vector.shape_cast %get3A_18 : vector<1x1024x128xf32> to vector<1024x128xf32>
    %add3A_20 = arith.addf %get3A_14, %get3A_19 : vector<1024x128xf32>
    %mul3A_21 = vector.broadcast %transpose3A : vector<1024x1xf32> to vector<1024x128xf32>
    %mul3A_22 = arith.mulf %add3A_20, %mul3A_21 : vector<1024x128xf32>
    %get3A_23 = arith.constant 0 : index
    %get3A_24 = arith.constant 0 : index
    %get3A_25 = vector.load %arg3[%get3A_23, %get3A_24] : memref<1x128xf32, #tpu.memory_space<vmem>>, vector<1x128xf32>
    %add3A_26 = vector.broadcast %get3A_25 : vector<1x128xf32> to vector<1024x128xf32>
    %add3A_27 = arith.addf %mul3A_22, %add3A_26 : vector<1024x128xf32>
    %max3A_28 = arith.constant 0.000000e+00 : f32
    %max3A_29 = vector.broadcast %max3A_28 : f32 to vector<1024x128xf32>
    %max3A_30 = arith.maximumf %add3A_27, %max3A_29 : vector<1024x128xf32>
    %iota3A = tpu.iota {dimensions = array<i32: 0>} : vector<1024x1xi32>
    %mul3A_31 = arith.constant 1024 : i32
    %mul3A_32 = arith.muli %arg0, %mul3A_31 : i32
    %add3A_33 = vector.broadcast %mul3A_32 : i32 to vector<1024x1xi32>
    %add3A_34 = arith.addi %iota3A, %add3A_33 : vector<1024x1xi32>
    %lt3A = arith.constant 10000 : i32
    %lt3A_35 = vector.broadcast %lt3A : i32 to vector<1024x1xi32>
    %lt3A_36 = arith.cmpi slt, %add3A_34, %lt3A_35 : vector<1024x1xi32>
    %jit3A = arith.constant 0.000000e+00 : f32
    %broadcast_in_dim3A = vector.shape_cast %lt3A_36 : vector<1024x1xi1> to vector<1024x1xi1>
    %broadcast_in_dim3A_37 = vector.broadcast %broadcast_in_dim3A : vector<1024x1xi1> to vector<1024x128xi1>
    %broadcast_in_dim3A_38 = vector.broadcast %jit3A : f32 to vector<1024x128xf32>
    %select_n3A = arith.select %broadcast_in_dim3A_37, %max3A_30, %broadcast_in_dim3A_38 : vector<1024x128xi1>, vector<1024x128xf32>
    %reduce_sum3A = arith.constant dense<0.000000e+00> : vector<128xf32>
    %reduce_sum3A_39 = vector.multi_reduction <add>, %select_n3A, %reduce_sum3A [0] : vector<1024x128xf32> to vector<128xf32>
    %broadcast_in_dim3A_40 = vector.shape_cast %reduce_sum3A_39 : vector<128xf32> to vector<1x128xf32>
    %eq3A = arith.constant 0 : i32
    %eq3A_41 = arith.cmpi eq, %arg0, %eq3A : i32
    %convert_element_type3A = arith.extui %eq3A_41 : i1 to i32
    %cond3A = arith.constant 0 : i32
    %cond3A_42 = arith.cmpi ne, %convert_element_type3A, %cond3A : i32
    scf.if %cond3A_42 {
      %swap3A = arith.constant 0 : index
      %swap3A_52 = arith.constant 0 : index
      %swap3A_53 = vector.load %arg11[%swap3A, %swap3A_52] : memref<1x128xf32, #tpu.memory_space<vmem>>, vector<1x128xf32>
      tpu.vector_store %arg11[%swap3A, %swap3A_52], %broadcast_in_dim3A_40 {strides = array<i32>} : memref<1x128xf32, #tpu.memory_space<vmem>>, vector<1x128xf32>,
    } else {
    }
    %gt3A = arith.constant 0 : i32
    %gt3A_43 = arith.cmpi sgt, %arg0, %gt3A : i32
    %convert_element_type3A_44 = arith.extui %gt3A_43 : i1 to i32
    %cond3A_45 = arith.constant 0 : i32
    %cond3A_46 = arith.cmpi ne, %convert_element_type3A_44, %cond3A_45 : i32
    scf.if %cond3A_46 {
      %get3A_52 = arith.constant 0 : index
      %get3A_53 = arith.constant 0 : index
      %get3A_54 = vector.load %arg11[%get3A_52, %get3A_53] : memref<1x128xf32, #tpu.memory_space<vmem>>, vector<1x128xf32>
      %add3A_55 = arith.addf %get3A_54, %broadcast_in_dim3A_40 : vector<1x128xf32>
      %swap3A = arith.constant 0 : index
      %swap3A_56 = arith.constant 0 : index
      %swap3A_57 = vector.load %arg11[%swap3A, %swap3A_56] : memref<1x128xf32, #tpu.memory_space<vmem>>, vector<1x128xf32>
      tpu.vector_store %arg11[%swap3A, %swap3A_56], %add3A_55 {strides = array<i32>} : memref<1x128xf32, #tpu.memory_space<vmem>>, vector<1x128xf32>,
    } else {
    }
    %eq3A_47 = arith.constant 9 : i32
    %eq3A_48 = arith.cmpi eq, %arg0, %eq3A_47 : i32
    %convert_element_type3A_49 = arith.extui %eq3A_48 : i1 to i32
    %cond3A_50 = arith.constant 0 : i32
    %cond3A_51 = arith.cmpi ne, %convert_element_type3A_49, %cond3A_50 : i32
    scf.if %cond3A_51 {
      %get3A_52 = arith.constant 0 : index
      %get3A_53 = arith.constant 0 : index
      %get3A_54 = vector.load %arg11[%get3A_52, %get3A_53] : memref<1x128xf32, #tpu.memory_space<vmem>>, vector<1x128xf32>
      %mul3A_55 = arith.constant 9.99999974E-5 : f32
      %mul3A_56 = vector.broadcast %mul3A_55 : f32 to vector<1x128xf32>
      %mul3A_57 = arith.mulf %get3A_54, %mul3A_56 : vector<1x128xf32>
      %get3A_58 = arith.constant 0 : index
      %get3A_59 = arith.constant 0 : index
      %get3A_60 = vector.load %arg4[%get3A_58, %get3A_59] : memref<128x128xf32, #tpu.memory_space<vmem>>, vector<128x128xf32>
      %dot_general3A = arith.constant dense<0.000000e+00> : vector<1x128xf32>
      %dot_general3A_61 = tpu.matmul %mul3A_57, %get3A_60, %dot_general3A {dimension_numbers = #tpu.dot_dimension_numbers<[1], [0], [0], [1], [0, 0, 1, 1], [], []>, transpose_lhs_hint = false} : vector<1x128xf32>, vector<128x128xf32>, vector<1x128xf32> -> vector<1x128xf32>
      %get3A_62 = arith.constant 0 : index
      %get3A_63 = arith.constant 0 : index
      %get3A_64 = vector.load %arg5[%get3A_62, %get3A_63] : memref<1x128xf32, #tpu.memory_space<vmem>>, vector<1x128xf32>
      %add3A_65 = arith.addf %dot_general3A_61, %get3A_64 : vector<1x128xf32>
      %max3A_66 = arith.constant 0.000000e+00 : f32
      %max3A_67 = vector.broadcast %max3A_66 : f32 to vector<1x128xf32>
      %max3A_68 = arith.maximumf %add3A_65, %max3A_67 : vector<1x128xf32>
      %get3A_69 = arith.constant 0 : index
      %get3A_70 = arith.constant 0 : index
      %get3A_71 = vector.load %arg6[%get3A_69, %get3A_70] : memref<128x128xf32, #tpu.memory_space<vmem>>, vector<128x128xf32>
      %dot_general3A_72 = arith.constant dense<0.000000e+00> : vector<1x128xf32>
      %dot_general3A_73 = tpu.matmul %max3A_68, %get3A_71, %dot_general3A_72 {dimension_numbers = #tpu.dot_dimension_numbers<[1], [0], [0], [1], [0, 0, 1, 1], [], []>, transpose_lhs_hint = false} : vector<1x128xf32>, vector<128x128xf32>, vector<1x128xf32> -> vector<1x128xf32>
      %get3A_74 = arith.constant 0 : index
      %get3A_75 = arith.constant 0 : index
      %get3A_76 = vector.load %arg7[%get3A_74, %get3A_75] : memref<1x128xf32, #tpu.memory_space<vmem>>, vector<1x128xf32>
      %add3A_77 = arith.addf %dot_general3A_73, %get3A_76 : vector<1x128xf32>
      %max3A_78 = arith.constant 0.000000e+00 : f32
      %max3A_79 = vector.broadcast %max3A_78 : f32 to vector<1x128xf32>
      %max3A_80 = arith.maximumf %add3A_77, %max3A_79 : vector<1x128xf32>
      %get3A_81 = arith.constant 0 : index
      %get3A_82 = arith.constant 0 : index
      %get3A_83 = vector.load %arg8[%get3A_81, %get3A_82] : memref<128x1xf32, #tpu.memory_space<vmem>>, vector<128x1xf32>
      %dot_general3A_84 = arith.constant dense<0.000000e+00> : vector<1x1xf32>
      %dot_general3A_85 = tpu.matmul %max3A_80, %get3A_83, %dot_general3A_84 {dimension_numbers = #tpu.dot_dimension_numbers<[1], [0], [0], [1], [0, 0, 1, 1], [], []>, transpose_lhs_hint = false} : vector<1x128xf32>, vector<128x1xf32>, vector<1x1xf32> -> vector<1x1xf32>
      %get3A_86 = arith.constant 0 : index
      %get3A_87 = arith.constant 0 : index
      %get3A_88 = vector.load %arg9[%get3A_86, %get3A_87] : memref<1x1xf32, #tpu.memory_space<vmem>>, vector<1x1xf32>
      %add3A_89 = arith.addf %dot_general3A_85, %get3A_88 : vector<1x1xf32>
      %swap3A = arith.constant 0 : index
      %swap3A_90 = arith.constant 0 : index
      %swap3A_91 = vector.load %arg10[%swap3A, %swap3A_90] : memref<1x1xf32, #tpu.memory_space<vmem>>, vector<1x1xf32>
      tpu.vector_store %arg10[%swap3A, %swap3A_90], %add3A_89 {strides = array<i32>} : memref<1x1xf32, #tpu.memory_space<vmem>>, vector<1x1xf32>,
    } else {
    }
    return
  }
  func.func @transform_0(%arg0: i32) -> (i32, i32) {
    %c0_i32 = arith.constant 0 : i32
    %c0_i32_0 = arith.constant 0 : i32
    %c0_i32_1 = arith.constant 0 : i32
    return %c0_i32, %c0_i32_0 : i32, i32
  }
  func.func @transform_1(%arg0: i32) -> (i32, i32, i32) {
    %c0_i32 = arith.constant 0 : i32
    %c0_i32_0 = arith.constant 0 : i32
    %c0_i32_1 = arith.constant 0 : i32
    return %c0_i32, %arg0, %c0_i32_0 : i32, i32, i32
  }
  func.func @transform_2(%arg0: i32) -> (i32, i32) {
    %c0_i32 = arith.constant 0 : i32
    %c0_i32_0 = arith.constant 0 : i32
    %c0_i32_1 = arith.constant 0 : i32
    return %c0_i32, %c0_i32_0 : i32, i32
  }
  func.func @transform_3(%arg0: i32) -> (i32, i32) {
    %c0_i32 = arith.constant 0 : i32
    %c0_i32_0 = arith.constant 0 : i32
    %c0_i32_1 = arith.constant 0 : i32
    return %c0_i32, %c0_i32_0 : i32, i32
  }
  func.func @transform_4(%arg0: i32) -> (i32, i32) {
    %c0_i32 = arith.constant 0 : i32
    %c0_i32_0 = arith.constant 0 : i32
    %c0_i32_1 = arith.constant 0 : i32
    return %c0_i32, %c0_i32_0 : i32, i32
  }
  func.func @transform_5(%arg0: i32) -> (i32, i32) {
    %c0_i32 = arith.constant 0 : i32
    %c0_i32_0 = arith.constant 0 : i32
    %c0_i32_1 = arith.constant 0 : i32
    return %c0_i32, %c0_i32_0 : i32, i32
  }
  func.func @transform_6(%arg0: i32) -> (i32, i32) {
    %c0_i32 = arith.constant 0 : i32
    %c0_i32_0 = arith.constant 0 : i32
    %c0_i32_1 = arith.constant 0 : i32
    return %c0_i32, %c0_i32_0 : i32, i32
  }
  func.func @transform_7(%arg0: i32) -> (i32, i32) {
    %c0_i32 = arith.constant 0 : i32
    %c0_i32_0 = arith.constant 0 : i32
    %c0_i32_1 = arith.constant 0 : i32
    return %c0_i32, %c0_i32_0 : i32, i32
  }
  func.func @transform_8(%arg0: i32) -> (i32, i32) {
    %c0_i32 = arith.constant 0 : i32
    %c0_i32_0 = arith.constant 0 : i32
    %c0_i32_1 = arith.constant 0 : i32
    return %c0_i32, %c0_i32_0 : i32, i32
  }
  func.func @transform_9(%arg0: i32) -> (i32, i32) {
    %c0_i32 = arith.constant 0 : i32
    %c0_i32_0 = arith.constant 0 : i32
    %c0_i32_1 = arith.constant 0 : i32
    return %c0_i32, %c0_i32_0 : i32, i32
  }
}

</mosaic_0001>

<sc_bundles>
// kernel: kernel.11.cloned.1.call-start
scs
__scs_entry_jumppad:
0x0: {  	(pc) =	sbr.rel $0x88, $3  }
0x1: {  	(tag) =	ssettag $0x0;
	lr =	simm.s32 $0x1  }
0x2: {  	[smem:$0x3F95] =	sst lr;
	_ =	strace $0xD0000000  }
0x3: {  	_ = 	snop  }
0x4: {  	_ = 	snop  }
0x5: {  	_ = 	snop  }
0x6: {  	_ = 	snop  }
0x7: {  	_ = 	snop  }
__scs_overlays_trampoline_lowered:
0x8: {  	[smem:$0x3FA4] =	sst s0  }
0x9: {  	[smem:$0x3FA5] =	sst s1  }
0xa: {  	[smem:$0x3FA6] =	sst s2  }
0xb: {  	[smem:$0x3FA7] =	sst s3  }
0xc: {  	[smem:$0x3FA8] =	sst s4  }
0xd: {  	[smem:$0x3FA9] =	sst s5  }
0xe: {  	[smem:$0x3FAA] =	sst s6  }
0xf: {  	[smem:$0x3FAB] =	sst s7  }
0x10: {  	[smem:$0x3FAC] =	sst s8  }
0x11: {  	[smem:$0x3FAD] =	sst s9;
	s0 =	simm.s32 @!p0 $0x0  }
0x12: {  	s1 =	sld [smem:$0x3F93];
	s0 =	simm.s32 @p0 $0x1  }
0x13: {  	[smem:$0x3FAE] =	sst s0;
	s0 =	simm.s32 @!p1 $0x0  }
0x14: {  	s2 =	sld [smem:$0x3F92];
	s0 =	simm.s32 @p1 $0x1  }
0x15: {  	[smem:$0x3FAF] =	sst s0;
	s0 =	simm.s32 @!p2 $0x0  }
0x16: {  	s3 =	sld [smem:$0x3FDB];
	s0 =	simm.s32 @p2 $0x1  }
0x17: {  	s4 =	simm.s32 $0x1BF5;
	[smem:$0x3FB1] =	sst s0  }
0x18: {  	s0 =	sld [smem:$0x3F94];
	_ =	swait.ge [sflag:s4], $0x0  }
0x19: {  	s7 =	sld [smem:$0x3F95]  }
0x1a: {  	s8 =	sadd.s32 $0xFFFFE003, lr  }
0x1b: {  	s9 =	sadd.s32 $0xFFFFFEF7, lr;
	s5 =	simm.s32 $0xFFFFFFFF;
	p2 =	slt.u32 s8, $0xFFFFF086  }
0x1c: {  	p1 =	slt.u32 s9, $0xF7A;
	s5 =	simm.s32 @!p2 $0x0  }
0x1d: {  	s5 =	simm.s32 @p1 $0x1;
	p0 =	seq.s32 s7, s2  }
0x1e: {  	s7 =	smul.u32 @!p0 $0xF7A, s2;
	p2 =	seq.s32 @!p0 s5, $0x0  }
0x1f: {  	s9 =	smul.u32 $0xF7A, s1;
	s8 =	simm.s32 @!p0 $0x1BF5;
	p2 =	por !p2, p0  }
0x20: {  	[sflag:s8] =	ssyncset.s32 @!p0 $0xFFFFF086;
	s6 =	sadd.s32 @!p0 s3, s7;
	s7 =	simm.s32 @!p0 $0x108  }
0x21: {  	s3 =	sadd.s32 s3, s9;
	s6 =	sadd.s32 @!p0 $0x88, s6;
	s7 =	simm.s32 @p2 $0x1082  }
0x22: {  	[simem:s7], [sflag:s8] =	dma.local @!p0 [hbm:s6], $0xF7A  }
0x23: {  	s9 =	sor.u32 $0xD0000000, s2;
	s6 =	simm.s32 $0x108;
	_ =	swait.ge @!p0 [sflag:s8], $0x0  }
0x24: {  	s3 =	sadd.s32 $0x88, s3;
	s6 =	simm.s32 @!p1 $0x1082;
	[sflag:s4] =	ssyncset.s32 $0xFFFFF086  }
0x25: {  	[simem:s6], [sflag:s4] =	dma.local [hbm:s3], $0xF7A  }
0x26: {  	[smem:$0x3F95] =	sst s1;
	(tag) =	ssettag s2;
	_ =	strace s9  }
0x27: {  	s1 =	sld [smem:$0x3FA5]  }
0x28: {  	s2 =	sld [smem:$0x3FA6]  }
0x29: {  	s4 =	sld [smem:$0x3FA8]  }
0x2a: {  	p0 =	seq.s32 s5, $0x0;
	s5 =	sld [smem:$0x3FA9]  }
0x2b: {  	s6 =	sld [smem:$0x3FAA]  }
0x2c: {  	s7 =	sld [smem:$0x3FAB]  }
0x2d: {  	s3 =	simm.s32 $0x108;
	s8 =	sld [smem:$0x3FAC]  }
0x2e: {  	s3 =	simm.s32 @!p0 $0x1082;
	s9 =	sld [smem:$0x3FAD]  }
0x2f: {  	lr =	sadd.s32 s0, s3;
	s0 =	sld [smem:$0x3FA4]  }
0x30: {  	s3 =	sld [smem:$0x3FA7]  }
0x31: {  	[smem:$0x3FB0] =	sst s10  }
0x32: {  	s10 =	sld [smem:$0x3FAE];
	_ =	sdelay $0x3  }
0x33: {  	p0 =	seq.s32 s10, $0x1;
	s10 =	sld [smem:$0x3FB0];
	_ =	sdelay $0x3  }
0x34: {  	[smem:$0x3FB0] =	sst s10  }
0x35: {  	s10 =	sld [smem:$0x3FAF];
	_ =	sdelay $0x3  }
0x36: {  	p1 =	seq.s32 s10, $0x1;
	s10 =	sld [smem:$0x3FB0];
	_ =	sdelay $0x3  }
0x37: {  	[smem:$0x3FB0] =	sst s10  }
0x38: {  	s10 =	sld [smem:$0x3FB1]  }
0x39: {  	_ = 	snop;
	(pc) =	sbr.ind lr, $3  }
0x3a: {  	_ = 	snop  }
0x3b: {  	_ = 	snop  }
0x3c: {  	p2 =	seq.s32 s10, $0x1;
	s10 =	sld [smem:$0x3FB0]  }
0x3d: {  	_ =	shalt  }
0x3e: {  	_ =	shalt  }
0x3f: {  	_ =	shalt  }
0x40: {  	_ =	shalt  }
0x41: {  	_ =	shalt  }
0x42: {  	_ =	shalt  }
0x43: {  	_ =	shalt  }
0x44: {  	_ =	shalt  }
0x45: {  	_ =	shalt  }
0x46: {  	_ =	shalt  }
0x47: {  	_ =	shalt  }
0x48: {  	_ =	shalt  }
0x49: {  	_ =	shalt  }
0x4a: {  	_ =	shalt  }
0x4b: {  	_ =	shalt  }
0x4c: {  	_ =	shalt  }
0x4d: {  	_ =	shalt  }
0x4e: {  	_ =	shalt  }
0x4f: {  	_ =	shalt  }
0x50: {  	_ =	shalt  }
0x51: {  	_ =	shalt  }
0x52: {  	_ =	shalt  }
0x53: {  	_ =	shalt  }
0x54: {  	_ =	shalt  }
0x55: {  	_ =	shalt  }
0x56: {  	_ =	shalt  }
0x57: {  	_ =	shalt  }
0x58: {  	_ =	shalt  }
0x59: {  	_ =	shalt  }
0x5a: {  	_ =	shalt  }
0x5b: {  	_ =	shalt  }
0x5c: {  	_ =	shalt  }
0x5d: {  	_ =	shalt  }
0x5e: {  	_ =	shalt  }
0x5f: {  	_ =	shalt  }
0x60: {  	_ =	shalt  }
0x61: {  	_ =	shalt  }
0x62: {  	_ =	shalt  }
0x63: {  	_ =	shalt  }
0x64: {  	_ =	shalt  }
0x65: {  	_ =	shalt  }
0x66: {  	_ =	shalt  }
0x67: {  	_ =	shalt  }
0x68: {  	_ =	shalt  }
0x69: {  	_ =	shalt  }
0x6a: {  	_ =	shalt  }
0x6b: {  	_ =	shalt  }
0x6c: {  	_ =	shalt  }
0x6d: {  	_ =	shalt  }
0x6e: {  	_ =	shalt  }
0x6f: {  	_ =	shalt  }
0x70: {  	_ =	shalt  }
0x71: {  	_ =	shalt  }
0x72: {  	_ =	shalt  }
0x73: {  	_ =	shalt  }
0x74: {  	_ =	shalt  }
0x75: {  	_ =	shalt  }
0x76: {  	_ =	shalt  }
0x77: {  	_ =	shalt  }
0x78: {  	_ =	shalt  }
0x79: {  	_ =	shalt  }
0x7a: {  	_ =	shalt  }
0x7b: {  	_ =	shalt  }
0x7c: {  	_ =	shalt  }
0x7d: {  	_ =	shalt  }
0x7e: {  	_ =	shalt  }
0x7f: {  	_ =	shalt  }
0x80: {  	_ =	shalt  }
0x81: {  	_ =	shalt  }
0x82: {  	_ =	shalt  }
0x83: {  	_ =	shalt  }
0x84: {  	_ =	shalt  }
0x85: {  	_ =	shalt  }
0x86: {  	_ =	shalt  }
0x87: {  	_ =	shalt  }
.Lfunc_end0:
.L_simem_size_0:
called_computation.1_lowered:
.L_overlay_start_0:
0x88: {  	s2 =	sld [smem:$0x3FD9]  }
0x89: {  	s3 =	sld [smem:$0x3FFE];
	_ =	sdelay $0x1  }
0x8a: {  	s1 =	srdreg.scid  }
0x8b: {  	s0 =	sand.u32 $0x1, s1  }
0x8c: {  	s16 =	sshll.u32 s0, $0xA;
	s2 =	sadd.s32 s3, s2  }
0x8d: {  	s2 =	sadd.s32 s2, s16  }
0x8e: {  	[smem:$0x3FBC] =	sst s2  }
0x8f: {  	_ = 	snop  }
0x90: {  	(tm) =	ssettm $0x1  }
0x91: {  	s17 =	sld [smem:$0x3FFB];
	_ =	sdelay $0x3  }
0x92: {  	_ =	strace s17  }
0x93: {  	s2 =	sld [smem:$0x3FFC];
	_ =	sdelay $0x3  }
0x94: {  	_ =	strace s2  }
0x95: {  	s2 =	sld [smem:$0x3FFD];
	_ =	sdelay $0x3  }
0x96: {  	_ =	strace s2  }
0x97: {  	_ =	strace $0x8FFFFFFF  }
0x98: {  	s18 =	sld [smem:$0x3FDB];
	_ =	sdelay $0x1  }
0x99: {  	s19 =	simm.s32 $_scs_section_size  }
0x9a: {  	s4 =	simm.s32 $_size__tile_overlayer_lowered;
	s5 =	simm.s32 $_tile_overlayer_lowered  }
0x9b: {  	s22 =	simm.s32 $0x1BFF;
	s21 =	sshll.u32 s5, $0x1;
	s2 =	sadd.s32 s19, s18  }
0x9c: {  	s6 =	simm.s32 $0x0;
	s20 =	sshll.u32 s4, $0x1;
	s4 =	sadd.s32 s21, s2  }
0x9d: {  	[timem:s6], [sflag:s22] =	dma.local [hbm:s4], s20  }
0x9e: {  	_ =	swait.ge [sflag:s22], s20  }
0x9f: {  	s3 =	ssub.s32 $0x0, s20;
	[sflag:s22] =	ssyncset.done $0x0  }
0xa0: {  	[sflag:s22] =	ssyncadd.s32 s3;
	_ =	sdelay $0x1  }
0xa1: {  	s23 =	simm.s32 $0x1B8B  }
0xa2: {  	_ =	swait.ge [sflag:s23], $0x1  }
0xa3: {  	[sflag:s23] =	ssyncset.done $0x0  }
0xa4: {  	s25 =	simm.s32 $0x1B8E;
	s24 =	sld [smem:$0x3FFE];
	[sflag:s23] =	ssyncadd.s32 $0xFFFFFFFF  }
0xa5: {  	s26 =	simm.s32 $execute0_lowered;
	[smem:$0x3FD2] =	sst s25  }
0xa6: {  	s4 =	sshll.u32 s26, $0x1;
	_ =	strace $0x80000049;
	[dreg:$0x1] =	wrdreg $0xFFFFFFFF  }
0xa7: {  	s28 =	simm.s32 $_size_execute0_lowered;
	s2 =	sadd.s32 s2, s4;
	[dreg:$0x0] =	wrdreg $0x0  }
0xa8: {  	s4 =	sshll.u32 s28, $0x1;
	[dreg:$0x2] =	wrdreg s2  }
0xa9: {  	[dreg:$0x3] =	wrdreg s4  }
0xaa: {  	[dreg:$0x4] =	wrdreg $0xC0  }
0xab: {  	_ =	task [dreg:s6], $0x5FFFF  }
0xac: {  	[dreg:$0x1] =	wrdreg $0xFFFFFFFF  }
0xad: {  	[dreg:$0x0] =	wrdreg $0x60  }
0xae: {  	[dreg:$0x2] =	wrdreg s24  }
0xaf: {  	[dreg:$0x3] =	wrdreg $0x91000  }
0xb0: {  	[dreg:$0x4] =	wrdreg $0x9  }
0xb1: {  	_ =	task.clear_ibuf [dreg:s6], $0x5FFFF;
	_ =	strace $0x90000049  }
0xb2: {  	s29 =	simm.s32 $0x9;
	_ =	strace $0x8000004B  }
0xb3: {  	_ =	swait.ge [sflag:s29], $0x1  }
0xb4: {  	[sflag:s29] =	ssyncadd.s32 $0xFFFFFFFF  }
0xb5: {  	_ =	strace $0x9000004B  }
0xb6: {  	_ =	sfence  }
0xb7: {  	s30 =	sld [smem:$0x0];
	_ =	sdelay $0x2  }
0xb8: {  	s31 =	sshll.u32 s1, $0xD;
	s1 =	sshrl.u32 s1, $0x2  }
0xb9: {  	s3 =	sand.u32 $0x4000, s31;
	s1 =	sadd.s32 s1, s30  }
0xba: {  	s0 =	sor.u32 s3, s0;
	s1 =	sshll.u32 s1, $0x11  }
0xbb: {  	s0 =	sor.u32 s1, s0  }
0xbc: {  	s0 =	sadd.s32 $0x8F2B, s0  }
0xbd: {  	[sflag:s0] =	ssyncadd.remote.s32 $0x1  }
0xbe: {  	_ =	sfence.sel $0xFFFF  }
0xbf: {  	[dreg:$0x0] =	wrdreg $0xFFFFFFFF;
	(pc) =	sbr.abs _section_cstart, $3  }
0xc0: {  	[dreg:$0x1] =	wrdreg $0xFFFFFFFF  }
0xc1: {  	_ =	task.clear_ibuf [dreg:s6], $0x2FFFF;
	_ =	strace $0x9FFFFFFF  }
0xc2: {  	(tm) =	ssettm $0x7FFFFFFF  }
0xc3: {  	_ =	shalt  }
tec
execute0_lowered:
.L_overlay_start_1:
0x0: {  	(tag) =	ssettag $0x1  }
0x1: {  	s0 =	rddreg [dreg:$0x0]  }
0x2: {  	s1 =	rddreg [dreg:$0x1];
	s3 =	simm.s32 $0x0  }
0x3: {  	s2 =	srdreg.scid;
	s9 =	stileid.u32;
	s21 =	simm.s32 $0x4100  }
0x4: {  	s28 =	simm.s32 $0x4;
	s29 =	simm.s32 $0x6900;
	s30 =	simm.s32 $0x1  }
0x5: {  	s31 =	simm.s32 $0x2;
	[smem:$0x7FF] =	sst s3;
	s2 =	sand.u32 $0x1, s2  }
0x6: {  	s6 =	sshll.u32 s9, $0xE;
	s4 =	sadd.s32 $0x23800, s0;
	s8 =	smul.u32 $0x14000, s9  }
0x7: {  	s9 =	smul.u32 $0x50000, s9;
	_ =	strace $0x8000004A;
	s5 =	sshll.u32 s2, $0x12  }
0x8: {  	s7 =	smul.u32 $0x140000, s2;
	s2 =	ssub.s32 $0x2, s2;
	s5 =	sor.u32 s6, s5  }
0x9: {  	s6 =	sadd.s32 $0x13800, s0;
	s22 =	sshrl.u32 s2, $0x1;
	s9 =	sshrl.u32 s9, $0x2  }
0xa: {  	s16 =	sshrl.u32 s5, $0x3;
	s7 =	sadd.s32 s8, s7;
	s2 =	ssub.s32 s2, s22  }
0xb: {  	s22 =	simm.s32 $0x5;
	s15 =	sadd.s32 s16, s0;
	s7 =	sshrl.u32 s7, $0x3  }
0xc: {  	s16 =	sadd.s32 s6, s16;
	s19 =	smax.u32 s2, $0x1;
	s2 =	simm.s32 $0x0  }
0xd: {  	s0 =	sadd.s32 s7, s0;
	s7 =	sadd.s32 s9, s1;
	s15 =	sadd.s32 $0x2800, s15  }
0xe: {  	s17 =	sadd.s32 $0x10, s16;
	s20 =	sadd.s32 $0x7C0, s16;
	s23 =	sadd.s32 $0x2800, s7  }
0xf: {  	s24 =	sadd.s32 $0x5000, s7;
	s25 =	sadd.s32 $0x7800, s7;
	[dreg:$0x3] =	wrdreg s23  }
0x10: {  	s26 =	sadd.s32 $0xA000, s7;
	s12 =	sadd.s32 $0xC800, s7;
	[dreg:$0x4] =	wrdreg s24  }
0x11: {  	s13 =	sadd.s32 $0xF000, s7;
	s14 =	sadd.s32 $0x11800, s7;
	[dreg:$0x5] =	wrdreg s25  }
0x12: {  	s18 =	sadd.s32 $0x4B800, s0;
	[dreg:$0x6] =	wrdreg s26;
	s23 =	simm.s32 $0x4000  }
0x13: {  	v0 =	vimm.f32 $0.0e+00;
	s24 =	simm.s32 $0x4080;
	s25 =	simm.s32 $0x3;
	s26 =	simm.s32 $0x50  }
.LBB2_1:
0x14: {  	s0 =	simm.s32 $0x0;
	s8 =	simm.s32 $0x200  }
.LBB2_2:
0x15: {  	p0 =	sne.s32 s8, $0x9E00;
	[tilespmem:s0+$0x4170] =	vst v0  }
0x16: {  	[tilespmem:s0+$0x4100] =	vst v0  }
0x17: {  	[tilespmem:s0+$0x4110] =	vst v0  }
.Ltmp0:
0x18: {  	[tilespmem:s0+$0x4120] =	vst v0;
	(pc) =	sbr.rel @p0 .LBB2_2-.Ltmp0, $4  }
0x19: {  	[tilespmem:s0+$0x4130] =	vst v0  }
0x1a: {  	[tilespmem:s0+$0x4140] =	vst v0  }
0x1b: {  	[tilespmem:s0+$0x4150] =	vst v0  }
0x1c: {  	[tilespmem:s0+$0x4160] =	vst v0;
	s0 =	sshra.s32 s8, $0x2;
	s8 =	sadd.s32 $0x200, s8  }
0x1d: {  	[tilespmem:s0+$0x4170] =	vst v0  }
0x1e: {  	[tilespmem:s0+$0x4100] =	vst v0  }
0x1f: {  	[tilespmem:s0+$0x4110] =	vst v0  }
0x20: {  	[tilespmem:s0+$0x4120] =	vst v0  }
0x21: {  	[tilespmem:s0+$0x4130] =	vst v0  }
0x22: {  	[tilespmem:s0+$0x4140] =	vst v0  }
0x23: {  	[tilespmem:s0+$0x4150] =	vst v0  }
0x24: {  	[tilespmem:s0+$0x4160] =	vst v0  }
0x25: {  	[spmem:s7] =	stream.linear.scatter [tilespmem:s21], [sflag:$0x5], $0x2800, $0x38;
	[tilespmem:$0x1D100] =	vst v63  }
0x26: {  	_ =	swait.ge [sflag:s22], $0x2800  }
0x27: {  	[sflag:s22] =	ssyncset.done $0x0  }
0x28: {  	s11 =	rddreg [dreg:$0x3];
	[sflag:s22] =	ssyncadd.s32 $0xFFFFD800  }
0x29: {  	[spmem:s11] =	stream.linear.scatter [tilespmem:s21], [sflag:$0x5], $0x2800, $0x38;
	[tilespmem:$0x1D100] =	vst v63  }
0x2a: {  	_ =	swait.ge [sflag:s22], $0x2800  }
0x2b: {  	[sflag:s22] =	ssyncset.done $0x0  }
0x2c: {  	s8 =	rddreg [dreg:$0x4];
	[sflag:s22] =	ssyncadd.s32 $0xFFFFD800  }
0x2d: {  	[spmem:s8] =	stream.linear.scatter [tilespmem:s21], [sflag:$0x5], $0x2800, $0x38;
	[tilespmem:$0x1D100] =	vst v63  }
0x2e: {  	_ =	swait.ge [sflag:s22], $0x2800  }
0x2f: {  	[sflag:s22] =	ssyncset.done $0x0  }
0x30: {  	s9 =	rddreg [dreg:$0x5];
	[sflag:s22] =	ssyncadd.s32 $0xFFFFD800  }
0x31: {  	[spmem:s9] =	stream.linear.scatter [tilespmem:s21], [sflag:$0x5], $0x2800, $0x38;
	[tilespmem:$0x1D100] =	vst v63  }
0x32: {  	_ =	swait.ge [sflag:s22], $0x2800  }
0x33: {  	[sflag:s22] =	ssyncset.done $0x0  }
0x34: {  	s10 =	rddreg [dreg:$0x6];
	[sflag:s22] =	ssyncadd.s32 $0xFFFFD800  }
0x35: {  	[spmem:s10] =	stream.linear.scatter [tilespmem:s21], [sflag:$0x5], $0x2800, $0x38;
	[tilespmem:$0x1D100] =	vst v63  }
0x36: {  	_ =	swait.ge [sflag:s22], $0x2800  }
0x37: {  	[sflag:s22] =	ssyncset.done $0x0  }
0x38: {  	[sflag:s22] =	ssyncadd.s32 $0xFFFFD800  }
0x39: {  	[spmem:s12] =	stream.linear.scatter [tilespmem:s21], [sflag:$0x5], $0x2800, $0x38;
	[tilespmem:$0x1D100] =	vst v63  }
0x3a: {  	_ =	swait.ge [sflag:s22], $0x2800  }
0x3b: {  	[sflag:s22] =	ssyncset.done $0x0  }
0x3c: {  	[sflag:s22] =	ssyncadd.s32 $0xFFFFD800  }
0x3d: {  	[spmem:s13] =	stream.linear.scatter [tilespmem:s21], [sflag:$0x5], $0x2800, $0x38;
	[tilespmem:$0x1D100] =	vst v63  }
0x3e: {  	_ =	swait.ge [sflag:s22], $0x2800  }
0x3f: {  	[sflag:s22] =	ssyncset.done $0x0  }
0x40: {  	[sflag:s22] =	ssyncadd.s32 $0xFFFFD800  }
0x41: {  	[spmem:s14] =	stream.linear.scatter [tilespmem:s21], [sflag:$0x5], $0x2800, $0x38;
	[tilespmem:$0x1D100] =	vst v63  }
0x42: {  	_ =	swait.ge [sflag:s22], $0x2800  }
0x43: {  	[sflag:s22] =	ssyncset.done $0x0  }
0x44: {  	[sflag:s22] =	ssyncadd.s32 $0xFFFFD800  }
0x45: {  	[tilespmem:s3], [sflag:$0x5] =	stream.linear.gather [hbm4b:s15+s3], $0x3E80, $0x38;
	[tilespmem:$0x1D100] =	vst v63  }
0x46: {  	_ =	swait.ge [sflag:s22], $0x3E80  }
0x47: {  	[sflag:s22] =	ssyncset.done $0x0  }
0x48: {  	[sflag:s22] =	ssyncadd.s32 $0xFFFFC180  }
0x49: {  	[tilespmem:s23], [sflag:$0x3] =	stream.linear.gather [hbm4b:s16+s3], $0x80, $0x38;
	[tilespmem:$0x1D100] =	vst v63  }
0x4a: {  	_ = 	snop  }
0x4b: {  	[tilespmem:s24], [sflag:$0x4] =	stream.linear.gather [hbm4b:s17+s3], $0x80, $0x38;
	[tilespmem:$0x1D100] =	vst v63  }
0x4c: {  	[bflag:$0x0] =	sbarrier.arrive $0xFFFF  }
0x4d: {  	_ =	swait.ge [sflag:s25], $0x80  }
0x4e: {  	[sflag:s25] =	ssyncset.done $0x0  }
0x4f: {  	[sflag:s25] =	ssyncadd.s32 $0xFFFFFF80  }
0x50: {  	[tilespmem:s21], [sflag:$0x1] =	stream.indirect.gather [hbm4b:s4+s26], $0x80, s23, s26, $0xb8;
	[tilespmem:$0x1D100] =	vst v63  }
0x51: {  	s11 =	simm.s32 $0x100;
	_ =	swait.ge [sflag:s28], $0x80  }
0x52: {  	s8 =	sand.u32 $0x7C00, s11;
	[sflag:s28] =	ssyncset.done $0x0  }
0x53: {  	s0 =	sand.u32 $0x300, s11;
	s8 =	sadd.s32 s5, s8;
	[sflag:s28] =	ssyncadd.s32 $0xFFFFFF80  }
0x54: {  	[tilespmem:s29], [sflag:$0x2] =	stream.indirect.gather [hbm4b:s4+s26], $0x80, s24, s26, $0xb8;
	[tilespmem:$0x1D100] =	vst v63  }
0x55: {  	s0 =	sor.u32 s0, s8;
	_ =	swait.ge [sflag:s30], $0x2800  }
0x56: {  	s0 =	sshrl.u32 s0, $0x3;
	[sflag:s30] =	ssyncset.done $0x0  }
0x57: {  	s0 =	sadd.s32 s6, s0;
	[sflag:s30] =	ssyncadd.s32 $0xFFFFD800  }
0x58: {  	[tilespmem:s23], [sflag:$0x3] =	stream.linear.gather [hbm4b:s0+s3], $0x80, $0x38;
	[tilespmem:$0x1D100] =	vst v63  }
0x59: {  	s9 =	simm.s32 $0x0  }
0x5a: {  	[spmem:s1] =	stream.indirect.scatter.add.f32 [tilespmem:s21], [sflag:$0x5], $0x80, s9, s26, $0xb8;
	[tilespmem:$0x1D100] =	vst v63  }
0x5b: {  	_ =	swait.ge [sflag:s22], $0x2800  }
0x5c: {  	s10 =	simm.s32 $0x180;
	[sflag:s22] =	ssyncset.done $0x0  }
0x5d: {  	s11 =	sand.u32 $0x7C00, s10;
	[sflag:s22] =	ssyncadd.s32 $0xFFFFD800  }
0x5e: {  	s8 =	sadd.s32 s5, s11;
	s0 =	sand.u32 $0x380, s10;
	_ =	swait.ge [sflag:s25], $0x80  }
0x5f: {  	s0 =	sor.u32 s0, s8;
	[sflag:s25] =	ssyncset.done $0x0  }
0x60: {  	s0 =	sshrl.u32 s0, $0x3;
	[sflag:s25] =	ssyncadd.s32 $0xFFFFFF80  }
0x61: {  	[tilespmem:s21], [sflag:$0x1] =	stream.indirect.gather [hbm4b:s4+s26], $0x80, s23, s26, $0xb8;
	[tilespmem:$0x1D100] =	vst v63  }
0x62: {  	s0 =	sadd.s32 s6, s0  }
0x63: {  	[tilespmem:s24], [sflag:$0x4] =	stream.linear.gather [hbm4b:s0+s3], $0x80, $0x38;
	[tilespmem:$0x1D100] =	vst v63  }
0x64: {  	_ =	swait.ge [sflag:s31], $0x2800  }
0x65: {  	[sflag:s31] =	ssyncset.done $0x0  }
0x66: {  	s0 =	simm.s32 $0x80;
	[sflag:s31] =	ssyncadd.s32 $0xFFFFD800  }
0x67: {  	[spmem:s1] =	stream.indirect.scatter.add.f32 [tilespmem:s29], [sflag:$0x5], $0x80, s0, s26, $0xb8;
	[tilespmem:$0x1D100] =	vst v63  }
0x68: {  	s8 =	simm.s32 $0x280;
	_ =	swait.ge [sflag:s22], $0x2800  }
.LBB2_4:
0x69: {  	p0 =	sne.s32 s8, $0x3D80;
	[sflag:s22] =	ssyncset.done $0x0;
	s0 =	sadd.s32 $0x100, s0  }
0x6a: {  	s9 =	smov.u32 s8;
	s8 =	sadd.s32 $0x100, s8;
	[sflag:s22] =	ssyncadd.s32 $0xFFFFD800  }
0x6b: {  	s10 =	sadd.s32 $0xFFFFFF80, s9;
	_ =	swait.ge [sflag:s28], $0x80  }
0x6c: {  	s11 =	sand.u32 $0x7C00, s10;
	s10 =	sand.u32 $0x300, s10;
	[sflag:s28] =	ssyncset.done $0x0  }
0x6d: {  	s11 =	sadd.s32 s5, s11;
	[sflag:s28] =	ssyncadd.s32 $0xFFFFFF80  }
0x6e: {  	[tilespmem:s29], [sflag:$0x2] =	stream.indirect.gather [hbm4b:s4+s26], $0x80, s24, s26, $0xb8;
	[tilespmem:$0x1D100] =	vst v63  }
0x6f: {  	s10 =	sor.u32 s10, s11;
	_ =	swait.ge [sflag:s30], $0x2800  }
0x70: {  	s10 =	sshrl.u32 s10, $0x3;
	[sflag:s30] =	ssyncset.done $0x0  }
0x71: {  	s11 =	sadd.s32 $0xFFFFFF80, s0;
	s10 =	sadd.s32 s6, s10;
	[sflag:s30] =	ssyncadd.s32 $0xFFFFD800  }
0x72: {  	[tilespmem:s23], [sflag:$0x3] =	stream.linear.gather [hbm4b:s10+s3], $0x80, $0x38;
	[tilespmem:$0x1D100] =	vst v63  }
0x73: {  	_ = 	snop  }
0x74: {  	[spmem:s1] =	stream.indirect.scatter.add.f32 [tilespmem:s21], [sflag:$0x5], $0x80, s11, s26, $0xb8;
	[tilespmem:$0x1D100] =	vst v63  }
0x75: {  	_ =	swait.ge [sflag:s22], $0x2800  }
0x76: {  	[sflag:s22] =	ssyncset.done $0x0  }
0x77: {  	s10 =	sand.u32 $0x7C00, s9;
	[sflag:s22] =	ssyncadd.s32 $0xFFFFD800  }
0x78: {  	s9 =	sand.u32 $0x380, s9;
	s10 =	sadd.s32 s5, s10;
	_ =	swait.ge [sflag:s25], $0x80  }
0x79: {  	s9 =	sor.u32 s9, s10;
	[sflag:s25] =	ssyncset.done $0x0  }
0x7a: {  	s9 =	sshrl.u32 s9, $0x3;
	[sflag:s25] =	ssyncadd.s32 $0xFFFFFF80  }
0x7b: {  	[tilespmem:s21], [sflag:$0x1] =	stream.indirect.gather [hbm4b:s4+s26], $0x80, s23, s26, $0xb8;
	[tilespmem:$0x1D100] =	vst v63  }
0x7c: {  	s9 =	sadd.s32 s6, s9  }
0x7d: {  	[tilespmem:s24], [sflag:$0x4] =	stream.linear.gather [hbm4b:s9+s3], $0x80, $0x38;
	[tilespmem:$0x1D100] =	vst v63  }
.Ltmp1:
0x7e: {  	_ =	swait.ge [sflag:s31], $0x2800;
	(pc) =	sbr.rel @p0 .LBB2_4-.Ltmp1, $4  }
0x7f: {  	[sflag:s31] =	ssyncset.done $0x0  }
0x80: {  	[sflag:s31] =	ssyncadd.s32 $0xFFFFD800  }
0x81: {  	[spmem:s1] =	stream.indirect.scatter.add.f32 [tilespmem:s29], [sflag:$0x5], $0x80, s0, s26, $0xb8;
	[tilespmem:$0x1D100] =	vst v63  }
0x82: {  	_ =	swait.ge [sflag:s22], $0x2800  }
0x83: {  	[sflag:s22] =	ssyncset.done $0x0  }
0x84: {  	[sflag:s22] =	ssyncadd.s32 $0xFFFFD800  }
0x85: {  	_ =	swait.ge [sflag:s28], $0x80  }
0x86: {  	[sflag:s28] =	ssyncset.done $0x0  }
0x87: {  	[sflag:s28] =	ssyncadd.s32 $0xFFFFFF80  }
0x88: {  	[tilespmem:s29], [sflag:$0x2] =	stream.indirect.gather [hbm4b:s4+s26], $0x80, s24, s26, $0xb8;
	[tilespmem:$0x1D100] =	vst v63  }
0x89: {  	_ =	swait.ge [sflag:s30], $0x2800  }
0x8a: {  	[sflag:s30] =	ssyncset.done $0x0  }
0x8b: {  	[sflag:s30] =	ssyncadd.s32 $0xFFFFD800  }
0x8c: {  	[tilespmem:s23], [sflag:$0x3] =	stream.linear.gather [hbm4b:s20+s3], $0x80, $0x38;
	[tilespmem:$0x1D100] =	vst v63  }
0x8d: {  	s0 =	simm.s32 $0x3D00  }
0x8e: {  	[spmem:s1] =	stream.indirect.scatter.add.f32 [tilespmem:s21], [sflag:$0x5], $0x80, s0, s26, $0xb8;
	[tilespmem:$0x1D100] =	vst v63  }
0x8f: {  	_ =	swait.ge [sflag:s22], $0x2800  }
0x90: {  	[sflag:s22] =	ssyncset.done $0x0  }
0x91: {  	[sflag:s22] =	ssyncadd.s32 $0xFFFFD800  }
0x92: {  	_ =	swait.ge [sflag:s25], $0x80  }
0x93: {  	[sflag:s25] =	ssyncset.done $0x0  }
0x94: {  	[sflag:s25] =	ssyncadd.s32 $0xFFFFFF80  }
0x95: {  	[tilespmem:s21], [sflag:$0x1] =	stream.indirect.gather [hbm4b:s4+s26], $0x80, s23, s26, $0xb8;
	[tilespmem:$0x1D100] =	vst v63  }
0x96: {  	_ =	swait.ge [sflag:s31], $0x2800  }
0x97: {  	[sflag:s31] =	ssyncset.done $0x0  }
0x98: {  	s9 =	simm.s32 $0x3D80;
	[sflag:s31] =	ssyncadd.s32 $0xFFFFD800  }
0x99: {  	[spmem:s1] =	stream.indirect.scatter.add.f32 [tilespmem:s29], [sflag:$0x5], $0x80, s9, s26, $0xb8;
	[tilespmem:$0x1D100] =	vst v63  }
0x9a: {  	_ =	swait.ge [sflag:s22], $0x2800  }
0x9b: {  	[sflag:s22] =	ssyncset.done $0x0  }
0x9c: {  	[sflag:s22] =	ssyncadd.s32 $0xFFFFD800  }
0x9d: {  	_ =	swait.ge [sflag:s30], $0x2800  }
0x9e: {  	[sflag:s30] =	ssyncset.done $0x0  }
0x9f: {  	s10 =	simm.s32 $0x3E00;
	[sflag:s30] =	ssyncadd.s32 $0xFFFFD800  }
0xa0: {  	[spmem:s1] =	stream.indirect.scatter.add.f32 [tilespmem:s21], [sflag:$0x5], $0x80, s10, s26, $0xb8;
	[tilespmem:$0x1D100] =	vst v63  }
0xa1: {  	s11 =	stileid.u32;
	_ =	swait.ge [sflag:s22], $0x2800  }
0xa2: {  	s8 =	sshrl.u32 s7, $0x3;
	s2 =	sadd.s32 $0x1, s2;
	[sflag:s22] =	ssyncset.done $0x0  }
0xa3: {  	p0 =	sne.s32 s2, s19;
	s0 =	sshll.u32 s11, $0x6;
	[sflag:s22] =	ssyncadd.s32 $0xFFFFD800  }
.Ltmp2:
0xa4: {  	s0 =	sor.u32 $0x1C05, s0;
	[bflag:$0x0] =	sbarrier.arrive $0xFFFF;
	(pc) =	sbr.rel @p0 .LBB2_1-.Ltmp2, $4  }
0xa5: {  	[hbm:s18], [sflag:s0] =	dma.local [spmem:s8], $0x2800  }
0xa6: {  	_ =	swait.ge [sflag:s22], $0x2800  }
0xa7: {  	[sflag:s22] =	ssyncset.done $0x0  }
0xa8: {  	[sflag:s22] =	ssyncadd.s32 $0xFFFFD800  }
0xa9: {  	_ =	sfence.sel $0x180000  }
0xaa: {  	[bflag:$0x0] =	sbarrier.arrive $0xFFFF  }
0xab: {  	_ =	strace $0x9000004A  }
0xac: {  	s0 =	stileid.u32;
	[bflag:$0x2] =	sbarrier.arrive $0xFFFF  }
0xad: {  	p0 =	sne.s32 s0, $0x0;
	s0 =	rddreg [dreg:$0x2]  }
0xae: {  	s0 =	sadd.s32 @!p0 $0x100000, s0  }
0xaf: {  	[sflag:s0] =	ssyncadd.tile.s32 @!p0 $0x1;
	_ =	shalt  }
.Lfunc_end2:
_tile_overlayer_lowered:
.L_overlay_start_2:
0xb0: {  	(tag) =	ssettag $0x2  }
0xb1: {  	s0 =	rddreg [dreg:$0x0];
	s2 =	stileid.u32  }
0xb2: {  	s1 =	rddreg [dreg:$0x1];
	p0 =	sne.s32 s2, $0x0  }
0xb3: {  	s3 =	rddreg [dreg:$0x2];
	[bflag:$0x3] =	sbarrier.arrive $0xFFFF;
	s2 =	simm.s32 @!p0 $0x1C05  }
0xb4: {  	[timem:s3], [sflag:s2] =	dma.local @!p0 [hbm:s0], s1  }
0xb5: {  	s0 =	simm.s32 @!p0 $0x5  }
0xb6: {  	_ =	swait.ge @!p0 [sflag:s0], s1  }
0xb7: {  	s1 =	ssub.s32 @!p0 $0x0, s1;
	[sflag:s0] =	ssyncset.done @!p0 $0x0  }
0xb8: {  	[sflag:s0] =	ssyncadd.s32 @!p0 s1  }
0xb9: {  	[bflag:$0x3] =	sbarrier.arrive $0xFFFF  }
0xba: {  	_ =	shalt  }

// kernel: kernel.14.cloned.1.call-start
scs
__scs_entry_jumppad:
0x0: {  	(pc) =	sbr.rel $0x88, $3  }
0x1: {  	(tag) =	ssettag $0x0;
	lr =	simm.s32 $0x1  }
0x2: {  	[smem:$0x3F95] =	sst lr;
	_ =	strace $0xD0000000  }
0x3: {  	_ = 	snop  }
0x4: {  	_ = 	snop  }
0x5: {  	_ = 	snop  }
0x6: {  	_ = 	snop  }
0x7: {  	_ = 	snop  }
__scs_overlays_trampoline_lowered:
0x8: {  	[smem:$0x3FA4] =	sst s0  }
0x9: {  	[smem:$0x3FA5] =	sst s1  }
0xa: {  	[smem:$0x3FA6] =	sst s2  }
0xb: {  	[smem:$0x3FA7] =	sst s3  }
0xc: {  	[smem:$0x3FA8] =	sst s4  }
0xd: {  	[smem:$0x3FA9] =	sst s5  }
0xe: {  	[smem:$0x3FAA] =	sst s6  }
0xf: {  	[smem:$0x3FAB] =	sst s7  }
0x10: {  	[smem:$0x3FAC] =	sst s8  }
0x11: {  	[smem:$0x3FAD] =	sst s9;
	s0 =	simm.s32 @!p0 $0x0  }
0x12: {  	s1 =	sld [smem:$0x3F93];
	s0 =	simm.s32 @p0 $0x1  }
0x13: {  	[smem:$0x3FAE] =	sst s0;
	s0 =	simm.s32 @!p1 $0x0  }
0x14: {  	s2 =	sld [smem:$0x3F92];
	s0 =	simm.s32 @p1 $0x1  }
0x15: {  	[smem:$0x3FAF] =	sst s0;
	s0 =	simm.s32 @!p2 $0x0  }
0x16: {  	s3 =	sld [smem:$0x3FDB];
	s0 =	simm.s32 @p2 $0x1  }
0x17: {  	s4 =	simm.s32 $0x1BF5;
	[smem:$0x3FB1] =	sst s0  }
0x18: {  	s0 =	sld [smem:$0x3F94];
	_ =	swait.ge [sflag:s4], $0x0  }
0x19: {  	s7 =	sld [smem:$0x3F95]  }
0x1a: {  	s8 =	sadd.s32 $0xFFFFE003, lr  }
0x1b: {  	s9 =	sadd.s32 $0xFFFFFEF7, lr;
	s5 =	simm.s32 $0xFFFFFFFF;
	p2 =	slt.u32 s8, $0xFFFFF086  }
0x1c: {  	p1 =	slt.u32 s9, $0xF7A;
	s5 =	simm.s32 @!p2 $0x0  }
0x1d: {  	s5 =	simm.s32 @p1 $0x1;
	p0 =	seq.s32 s7, s2  }
0x1e: {  	s7 =	smul.u32 @!p0 $0xF7A, s2;
	p2 =	seq.s32 @!p0 s5, $0x0  }
0x1f: {  	s9 =	smul.u32 $0xF7A, s1;
	s8 =	simm.s32 @!p0 $0x1BF5;
	p2 =	por !p2, p0  }
0x20: {  	[sflag:s8] =	ssyncset.s32 @!p0 $0xFFFFF086;
	s6 =	sadd.s32 @!p0 s3, s7;
	s7 =	simm.s32 @!p0 $0x108  }
0x21: {  	s3 =	sadd.s32 s3, s9;
	s6 =	sadd.s32 @!p0 $0x88, s6;
	s7 =	simm.s32 @p2 $0x1082  }
0x22: {  	[simem:s7], [sflag:s8] =	dma.local @!p0 [hbm:s6], $0xF7A  }
0x23: {  	s9 =	sor.u32 $0xD0000000, s2;
	s6 =	simm.s32 $0x108;
	_ =	swait.ge @!p0 [sflag:s8], $0x0  }
0x24: {  	s3 =	sadd.s32 $0x88, s3;
	s6 =	simm.s32 @!p1 $0x1082;
	[sflag:s4] =	ssyncset.s32 $0xFFFFF086  }
0x25: {  	[simem:s6], [sflag:s4] =	dma.local [hbm:s3], $0xF7A  }
0x26: {  	[smem:$0x3F95] =	sst s1;
	(tag) =	ssettag s2;
	_ =	strace s9  }
0x27: {  	s1 =	sld [smem:$0x3FA5]  }
0x28: {  	s2 =	sld [smem:$0x3FA6]  }
0x29: {  	s4 =	sld [smem:$0x3FA8]  }
0x2a: {  	p0 =	seq.s32 s5, $0x0;
	s5 =	sld [smem:$0x3FA9]  }
0x2b: {  	s6 =	sld [smem:$0x3FAA]  }
0x2c: {  	s7 =	sld [smem:$0x3FAB]  }
0x2d: {  	s3 =	simm.s32 $0x108;
	s8 =	sld [smem:$0x3FAC]  }
0x2e: {  	s3 =	simm.s32 @!p0 $0x1082;
	s9 =	sld [smem:$0x3FAD]  }
0x2f: {  	lr =	sadd.s32 s0, s3;
	s0 =	sld [smem:$0x3FA4]  }
0x30: {  	s3 =	sld [smem:$0x3FA7]  }
0x31: {  	[smem:$0x3FB0] =	sst s10  }
0x32: {  	s10 =	sld [smem:$0x3FAE];
	_ =	sdelay $0x3  }
0x33: {  	p0 =	seq.s32 s10, $0x1;
	s10 =	sld [smem:$0x3FB0];
	_ =	sdelay $0x3  }
0x34: {  	[smem:$0x3FB0] =	sst s10  }
0x35: {  	s10 =	sld [smem:$0x3FAF];
	_ =	sdelay $0x3  }
0x36: {  	p1 =	seq.s32 s10, $0x1;
	s10 =	sld [smem:$0x3FB0];
	_ =	sdelay $0x3  }
0x37: {  	[smem:$0x3FB0] =	sst s10  }
0x38: {  	s10 =	sld [smem:$0x3FB1]  }
0x39: {  	_ = 	snop;
	(pc) =	sbr.ind lr, $3  }
0x3a: {  	_ = 	snop  }
0x3b: {  	_ = 	snop  }
0x3c: {  	p2 =	seq.s32 s10, $0x1;
	s10 =	sld [smem:$0x3FB0]  }
0x3d: {  	_ =	shalt  }
0x3e: {  	_ =	shalt  }
0x3f: {  	_ =	shalt  }
0x40: {  	_ =	shalt  }
0x41: {  	_ =	shalt  }
0x42: {  	_ =	shalt  }
0x43: {  	_ =	shalt  }
0x44: {  	_ =	shalt  }
0x45: {  	_ =	shalt  }
0x46: {  	_ =	shalt  }
0x47: {  	_ =	shalt  }
0x48: {  	_ =	shalt  }
0x49: {  	_ =	shalt  }
0x4a: {  	_ =	shalt  }
0x4b: {  	_ =	shalt  }
0x4c: {  	_ =	shalt  }
0x4d: {  	_ =	shalt  }
0x4e: {  	_ =	shalt  }
0x4f: {  	_ =	shalt  }
0x50: {  	_ =	shalt  }
0x51: {  	_ =	shalt  }
0x52: {  	_ =	shalt  }
0x53: {  	_ =	shalt  }
0x54: {  	_ =	shalt  }
0x55: {  	_ =	shalt  }
0x56: {  	_ =	shalt  }
0x57: {  	_ =	shalt  }
0x58: {  	_ =	shalt  }
0x59: {  	_ =	shalt  }
0x5a: {  	_ =	shalt  }
0x5b: {  	_ =	shalt  }
0x5c: {  	_ =	shalt  }
0x5d: {  	_ =	shalt  }
0x5e: {  	_ =	shalt  }
0x5f: {  	_ =	shalt  }
0x60: {  	_ =	shalt  }
0x61: {  	_ =	shalt  }
0x62: {  	_ =	shalt  }
0x63: {  	_ =	shalt  }
0x64: {  	_ =	shalt  }
0x65: {  	_ =	shalt  }
0x66: {  	_ =	shalt  }
0x67: {  	_ =	shalt  }
0x68: {  	_ =	shalt  }
0x69: {  	_ =	shalt  }
0x6a: {  	_ =	shalt  }
0x6b: {  	_ =	shalt  }
0x6c: {  	_ =	shalt  }
0x6d: {  	_ =	shalt  }
0x6e: {  	_ =	shalt  }
0x6f: {  	_ =	shalt  }
0x70: {  	_ =	shalt  }
0x71: {  	_ =	shalt  }
0x72: {  	_ =	shalt  }
0x73: {  	_ =	shalt  }
0x74: {  	_ =	shalt  }
0x75: {  	_ =	shalt  }
0x76: {  	_ =	shalt  }
0x77: {  	_ =	shalt  }
0x78: {  	_ =	shalt  }
0x79: {  	_ =	shalt  }
0x7a: {  	_ =	shalt  }
0x7b: {  	_ =	shalt  }
0x7c: {  	_ =	shalt  }
0x7d: {  	_ =	shalt  }
0x7e: {  	_ =	shalt  }
0x7f: {  	_ =	shalt  }
0x80: {  	_ =	shalt  }
0x81: {  	_ =	shalt  }
0x82: {  	_ =	shalt  }
0x83: {  	_ =	shalt  }
0x84: {  	_ =	shalt  }
0x85: {  	_ =	shalt  }
0x86: {  	_ =	shalt  }
0x87: {  	_ =	shalt  }
.Lfunc_end0:
.L_simem_size_0:
called_computation.2_lowered:
.L_overlay_start_0:
0x88: {  	s2 =	sld [smem:$0x3FD9]  }
0x89: {  	s3 =	sld [smem:$0x3FFE];
	_ =	sdelay $0x1  }
0x8a: {  	s1 =	srdreg.scid  }
0x8b: {  	s0 =	sand.u32 $0x1, s1  }
0x8c: {  	s16 =	sshll.u32 s0, $0xA;
	s2 =	sadd.s32 s3, s2  }
0x8d: {  	s2 =	sadd.s32 s2, s16  }
0x8e: {  	[smem:$0x3FBC] =	sst s2  }
0x8f: {  	_ = 	snop  }
0x90: {  	(tm) =	ssettm $0x1  }
0x91: {  	s17 =	sld [smem:$0x3FFB];
	_ =	sdelay $0x3  }
0x92: {  	_ =	strace s17  }
0x93: {  	s2 =	sld [smem:$0x3FFC];
	_ =	sdelay $0x3  }
0x94: {  	_ =	strace s2  }
0x95: {  	s2 =	sld [smem:$0x3FFD];
	_ =	sdelay $0x3  }
0x96: {  	_ =	strace s2  }
0x97: {  	_ =	strace $0x8FFFFFFF  }
0x98: {  	s18 =	sld [smem:$0x3FDB];
	_ =	sdelay $0x1  }
0x99: {  	s19 =	simm.s32 $_scs_section_size  }
0x9a: {  	s4 =	simm.s32 $_size__tile_overlayer_lowered;
	s5 =	simm.s32 $_tile_overlayer_lowered  }
0x9b: {  	s22 =	simm.s32 $0x1BFF;
	s21 =	sshll.u32 s5, $0x1;
	s2 =	sadd.s32 s19, s18  }
0x9c: {  	s6 =	simm.s32 $0x0;
	s20 =	sshll.u32 s4, $0x1;
	s4 =	sadd.s32 s21, s2  }
0x9d: {  	[timem:s6], [sflag:s22] =	dma.local [hbm:s4], s20  }
0x9e: {  	_ =	swait.ge [sflag:s22], s20  }
0x9f: {  	s3 =	ssub.s32 $0x0, s20;
	[sflag:s22] =	ssyncset.done $0x0  }
0xa0: {  	[sflag:s22] =	ssyncadd.s32 s3;
	_ =	sdelay $0x1  }
0xa1: {  	s23 =	simm.s32 $0x1B8B  }
0xa2: {  	_ =	swait.ge [sflag:s23], $0x1  }
0xa3: {  	[sflag:s23] =	ssyncset.done $0x0  }
0xa4: {  	s25 =	simm.s32 $0x1B8E;
	s24 =	sld [smem:$0x3FFE];
	[sflag:s23] =	ssyncadd.s32 $0xFFFFFFFF  }
0xa5: {  	s26 =	simm.s32 $execute0_lowered;
	[smem:$0x3FD2] =	sst s25  }
0xa6: {  	s4 =	sshll.u32 s26, $0x1;
	_ =	strace $0x8000004C;
	[dreg:$0x1] =	wrdreg $0xFFFFFFFF  }
0xa7: {  	s28 =	simm.s32 $_size_execute0_lowered;
	s2 =	sadd.s32 s2, s4;
	[dreg:$0x0] =	wrdreg $0x0  }
0xa8: {  	s4 =	sshll.u32 s28, $0x1;
	[dreg:$0x2] =	wrdreg s2  }
0xa9: {  	[dreg:$0x3] =	wrdreg s4  }
0xaa: {  	[dreg:$0x4] =	wrdreg $0xC0  }
0xab: {  	_ =	task [dreg:s6], $0x5FFFF  }
0xac: {  	[dreg:$0x1] =	wrdreg $0xFFFFFFFF  }
0xad: {  	[dreg:$0x0] =	wrdreg $0x60  }
0xae: {  	[dreg:$0x2] =	wrdreg s24  }
0xaf: {  	[dreg:$0x3] =	wrdreg $0x91000  }
0xb0: {  	[dreg:$0x4] =	wrdreg $0x9  }
0xb1: {  	_ =	task.clear_ibuf [dreg:s6], $0x5FFFF;
	_ =	strace $0x9000004C  }
0xb2: {  	s29 =	simm.s32 $0x9;
	_ =	strace $0x8000004E  }
0xb3: {  	_ =	swait.ge [sflag:s29], $0x1  }
0xb4: {  	[sflag:s29] =	ssyncadd.s32 $0xFFFFFFFF  }
0xb5: {  	_ =	strace $0x9000004E  }
0xb6: {  	_ =	sfence  }
0xb7: {  	s30 =	sld [smem:$0x0];
	_ =	sdelay $0x2  }
0xb8: {  	s31 =	sshll.u32 s1, $0xD;
	s1 =	sshrl.u32 s1, $0x2  }
0xb9: {  	s3 =	sand.u32 $0x4000, s31;
	s1 =	sadd.s32 s1, s30  }
0xba: {  	s0 =	sor.u32 s3, s0;
	s1 =	sshll.u32 s1, $0x11  }
0xbb: {  	s0 =	sor.u32 s1, s0  }
0xbc: {  	s0 =	sadd.s32 $0x8F2B, s0  }
0xbd: {  	[sflag:s0] =	ssyncadd.remote.s32 $0x1  }
0xbe: {  	_ =	sfence.sel $0xFFFF  }
0xbf: {  	[dreg:$0x0] =	wrdreg $0xFFFFFFFF;
	(pc) =	sbr.abs _section_cstart, $3  }
0xc0: {  	[dreg:$0x1] =	wrdreg $0xFFFFFFFF  }
0xc1: {  	_ =	task.clear_ibuf [dreg:s6], $0x2FFFF;
	_ =	strace $0x9FFFFFFF  }
0xc2: {  	(tm) =	ssettm $0x7FFFFFFF  }
0xc3: {  	_ =	shalt  }
tec
execute0_lowered:
.L_overlay_start_1:
0x0: {  	(tag) =	ssettag $0x1  }
0x1: {  	s0 =	rddreg [dreg:$0x0]  }
0x2: {  	s1 =	rddreg [dreg:$0x1];
	s3 =	simm.s32 $0x0  }
0x3: {  	s2 =	srdreg.scid;
	s9 =	stileid.u32;
	s21 =	simm.s32 $0x4100  }
0x4: {  	s28 =	simm.s32 $0x4;
	s29 =	simm.s32 $0x6900;
	s30 =	simm.s32 $0x1  }
0x5: {  	s31 =	simm.s32 $0x2;
	[smem:$0x7FF] =	sst s3;
	s2 =	sand.u32 $0x1, s2  }
0x6: {  	s6 =	sshll.u32 s9, $0xE;
	s4 =	sadd.s32 $0x23800, s0;
	s8 =	smul.u32 $0x14000, s9  }
0x7: {  	s9 =	smul.u32 $0x50000, s9;
	_ =	strace $0x8000004D;
	s5 =	sshll.u32 s2, $0x12  }
0x8: {  	s7 =	smul.u32 $0x140000, s2;
	s2 =	ssub.s32 $0x2, s2;
	s5 =	sor.u32 s6, s5  }
0x9: {  	s6 =	sadd.s32 $0x13800, s0;
	s22 =	sshrl.u32 s2, $0x1;
	s9 =	sshrl.u32 s9, $0x2  }
0xa: {  	s16 =	sshrl.u32 s5, $0x3;
	s7 =	sadd.s32 s8, s7;
	s2 =	ssub.s32 s2, s22  }
0xb: {  	s22 =	simm.s32 $0x5;
	s15 =	sadd.s32 s16, s0;
	s7 =	sshrl.u32 s7, $0x3  }
0xc: {  	s16 =	sadd.s32 s6, s16;
	s19 =	smax.u32 s2, $0x1;
	s2 =	simm.s32 $0x0  }
0xd: {  	s0 =	sadd.s32 s7, s0;
	s7 =	sadd.s32 s9, s1;
	s15 =	sadd.s32 $0x2800, s15  }
0xe: {  	s17 =	sadd.s32 $0x10, s16;
	s20 =	sadd.s32 $0x7C0, s16;
	s23 =	sadd.s32 $0x2800, s7  }
0xf: {  	s24 =	sadd.s32 $0x5000, s7;
	s25 =	sadd.s32 $0x7800, s7;
	[dreg:$0x3] =	wrdreg s23  }
0x10: {  	s26 =	sadd.s32 $0xA000, s7;
	s12 =	sadd.s32 $0xC800, s7;
	[dreg:$0x4] =	wrdreg s24  }
0x11: {  	s13 =	sadd.s32 $0xF000, s7;
	s14 =	sadd.s32 $0x11800, s7;
	[dreg:$0x5] =	wrdreg s25  }
0x12: {  	s18 =	sadd.s32 $0x4B800, s0;
	[dreg:$0x6] =	wrdreg s26;
	s23 =	simm.s32 $0x4000  }
0x13: {  	v0 =	vimm.f32 $0.0e+00;
	s24 =	simm.s32 $0x4080;
	s25 =	simm.s32 $0x3;
	s26 =	simm.s32 $0x50  }
.LBB2_1:
0x14: {  	s0 =	simm.s32 $0x0;
	s8 =	simm.s32 $0x200  }
.LBB2_2:
0x15: {  	p0 =	sne.s32 s8, $0x9E00;
	[tilespmem:s0+$0x4170] =	vst v0  }
0x16: {  	[tilespmem:s0+$0x4100] =	vst v0  }
0x17: {  	[tilespmem:s0+$0x4110] =	vst v0  }
.Ltmp0:
0x18: {  	[tilespmem:s0+$0x4120] =	vst v0;
	(pc) =	sbr.rel @p0 .LBB2_2-.Ltmp0, $4  }
0x19: {  	[tilespmem:s0+$0x4130] =	vst v0  }
0x1a: {  	[tilespmem:s0+$0x4140] =	vst v0  }
0x1b: {  	[tilespmem:s0+$0x4150] =	vst v0  }
0x1c: {  	[tilespmem:s0+$0x4160] =	vst v0;
	s0 =	sshra.s32 s8, $0x2;
	s8 =	sadd.s32 $0x200, s8  }
0x1d: {  	[tilespmem:s0+$0x4170] =	vst v0  }
0x1e: {  	[tilespmem:s0+$0x4100] =	vst v0  }
0x1f: {  	[tilespmem:s0+$0x4110] =	vst v0  }
0x20: {  	[tilespmem:s0+$0x4120] =	vst v0  }
0x21: {  	[tilespmem:s0+$0x4130] =	vst v0  }
0x22: {  	[tilespmem:s0+$0x4140] =	vst v0  }
0x23: {  	[tilespmem:s0+$0x4150] =	vst v0  }
0x24: {  	[tilespmem:s0+$0x4160] =	vst v0  }
0x25: {  	[spmem:s7] =	stream.linear.scatter [tilespmem:s21], [sflag:$0x5], $0x2800, $0x38;
	[tilespmem:$0x1D100] =	vst v63  }
0x26: {  	_ =	swait.ge [sflag:s22], $0x2800  }
0x27: {  	[sflag:s22] =	ssyncset.done $0x0  }
0x28: {  	s11 =	rddreg [dreg:$0x3];
	[sflag:s22] =	ssyncadd.s32 $0xFFFFD800  }
0x29: {  	[spmem:s11] =	stream.linear.scatter [tilespmem:s21], [sflag:$0x5], $0x2800, $0x38;
	[tilespmem:$0x1D100] =	vst v63  }
0x2a: {  	_ =	swait.ge [sflag:s22], $0x2800  }
0x2b: {  	[sflag:s22] =	ssyncset.done $0x0  }
0x2c: {  	s8 =	rddreg [dreg:$0x4];
	[sflag:s22] =	ssyncadd.s32 $0xFFFFD800  }
0x2d: {  	[spmem:s8] =	stream.linear.scatter [tilespmem:s21], [sflag:$0x5], $0x2800, $0x38;
	[tilespmem:$0x1D100] =	vst v63  }
0x2e: {  	_ =	swait.ge [sflag:s22], $0x2800  }
0x2f: {  	[sflag:s22] =	ssyncset.done $0x0  }
0x30: {  	s9 =	rddreg [dreg:$0x5];
	[sflag:s22] =	ssyncadd.s32 $0xFFFFD800  }
0x31: {  	[spmem:s9] =	stream.linear.scatter [tilespmem:s21], [sflag:$0x5], $0x2800, $0x38;
	[tilespmem:$0x1D100] =	vst v63  }
0x32: {  	_ =	swait.ge [sflag:s22], $0x2800  }
0x33: {  	[sflag:s22] =	ssyncset.done $0x0  }
0x34: {  	s10 =	rddreg [dreg:$0x6];
	[sflag:s22] =	ssyncadd.s32 $0xFFFFD800  }
0x35: {  	[spmem:s10] =	stream.linear.scatter [tilespmem:s21], [sflag:$0x5], $0x2800, $0x38;
	[tilespmem:$0x1D100] =	vst v63  }
0x36: {  	_ =	swait.ge [sflag:s22], $0x2800  }
0x37: {  	[sflag:s22] =	ssyncset.done $0x0  }
0x38: {  	[sflag:s22] =	ssyncadd.s32 $0xFFFFD800  }
0x39: {  	[spmem:s12] =	stream.linear.scatter [tilespmem:s21], [sflag:$0x5], $0x2800, $0x38;
	[tilespmem:$0x1D100] =	vst v63  }
0x3a: {  	_ =	swait.ge [sflag:s22], $0x2800  }
0x3b: {  	[sflag:s22] =	ssyncset.done $0x0  }
0x3c: {  	[sflag:s22] =	ssyncadd.s32 $0xFFFFD800  }
0x3d: {  	[spmem:s13] =	stream.linear.scatter [tilespmem:s21], [sflag:$0x5], $0x2800, $0x38;
	[tilespmem:$0x1D100] =	vst v63  }
0x3e: {  	_ =	swait.ge [sflag:s22], $0x2800  }
0x3f: {  	[sflag:s22] =	ssyncset.done $0x0  }
0x40: {  	[sflag:s22] =	ssyncadd.s32 $0xFFFFD800  }
0x41: {  	[spmem:s14] =	stream.linear.scatter [tilespmem:s21], [sflag:$0x5], $0x2800, $0x38;
	[tilespmem:$0x1D100] =	vst v63  }
0x42: {  	_ =	swait.ge [sflag:s22], $0x2800  }
0x43: {  	[sflag:s22] =	ssyncset.done $0x0  }
0x44: {  	[sflag:s22] =	ssyncadd.s32 $0xFFFFD800  }
0x45: {  	[tilespmem:s3], [sflag:$0x5] =	stream.linear.gather [hbm4b:s15+s3], $0x3E80, $0x38;
	[tilespmem:$0x1D100] =	vst v63  }
0x46: {  	_ =	swait.ge [sflag:s22], $0x3E80  }
0x47: {  	[sflag:s22] =	ssyncset.done $0x0  }
0x48: {  	[sflag:s22] =	ssyncadd.s32 $0xFFFFC180  }
0x49: {  	[tilespmem:s23], [sflag:$0x3] =	stream.linear.gather [hbm4b:s16+s3], $0x80, $0x38;
	[tilespmem:$0x1D100] =	vst v63  }
0x4a: {  	_ = 	snop  }
0x4b: {  	[tilespmem:s24], [sflag:$0x4] =	stream.linear.gather [hbm4b:s17+s3], $0x80, $0x38;
	[tilespmem:$0x1D100] =	vst v63  }
0x4c: {  	[bflag:$0x0] =	sbarrier.arrive $0xFFFF  }
0x4d: {  	_ =	swait.ge [sflag:s25], $0x80  }
0x4e: {  	[sflag:s25] =	ssyncset.done $0x0  }
0x4f: {  	[sflag:s25] =	ssyncadd.s32 $0xFFFFFF80  }
0x50: {  	[tilespmem:s21], [sflag:$0x1] =	stream.indirect.gather [hbm4b:s4+s26], $0x80, s23, s26, $0xb8;
	[tilespmem:$0x1D100] =	vst v63  }
0x51: {  	s11 =	simm.s32 $0x100;
	_ =	swait.ge [sflag:s28], $0x80  }
0x52: {  	s8 =	sand.u32 $0x7C00, s11;
	[sflag:s28] =	ssyncset.done $0x0  }
0x53: {  	s0 =	sand.u32 $0x300, s11;
	s8 =	sadd.s32 s5, s8;
	[sflag:s28] =	ssyncadd.s32 $0xFFFFFF80  }
0x54: {  	[tilespmem:s29], [sflag:$0x2] =	stream.indirect.gather [hbm4b:s4+s26], $0x80, s24, s26, $0xb8;
	[tilespmem:$0x1D100] =	vst v63  }
0x55: {  	s0 =	sor.u32 s0, s8;
	_ =	swait.ge [sflag:s30], $0x2800  }
0x56: {  	s0 =	sshrl.u32 s0, $0x3;
	[sflag:s30] =	ssyncset.done $0x0  }
0x57: {  	s0 =	sadd.s32 s6, s0;
	[sflag:s30] =	ssyncadd.s32 $0xFFFFD800  }
0x58: {  	[tilespmem:s23], [sflag:$0x3] =	stream.linear.gather [hbm4b:s0+s3], $0x80, $0x38;
	[tilespmem:$0x1D100] =	vst v63  }
0x59: {  	s9 =	simm.s32 $0x0  }
0x5a: {  	[spmem:s1] =	stream.indirect.scatter.add.f32 [tilespmem:s21], [sflag:$0x5], $0x80, s9, s26, $0xb8;
	[tilespmem:$0x1D100] =	vst v63  }
0x5b: {  	_ =	swait.ge [sflag:s22], $0x2800  }
0x5c: {  	s10 =	simm.s32 $0x180;
	[sflag:s22] =	ssyncset.done $0x0  }
0x5d: {  	s11 =	sand.u32 $0x7C00, s10;
	[sflag:s22] =	ssyncadd.s32 $0xFFFFD800  }
0x5e: {  	s8 =	sadd.s32 s5, s11;
	s0 =	sand.u32 $0x380, s10;
	_ =	swait.ge [sflag:s25], $0x80  }
0x5f: {  	s0 =	sor.u32 s0, s8;
	[sflag:s25] =	ssyncset.done $0x0  }
0x60: {  	s0 =	sshrl.u32 s0, $0x3;
	[sflag:s25] =	ssyncadd.s32 $0xFFFFFF80  }
0x61: {  	[tilespmem:s21], [sflag:$0x1] =	stream.indirect.gather [hbm4b:s4+s26], $0x80, s23, s26, $0xb8;
	[tilespmem:$0x1D100] =	vst v63  }
0x62: {  	s0 =	sadd.s32 s6, s0  }
0x63: {  	[tilespmem:s24], [sflag:$0x4] =	stream.linear.gather [hbm4b:s0+s3], $0x80, $0x38;
	[tilespmem:$0x1D100] =	vst v63  }
0x64: {  	_ =	swait.ge [sflag:s31], $0x2800  }
0x65: {  	[sflag:s31] =	ssyncset.done $0x0  }
0x66: {  	s0 =	simm.s32 $0x80;
	[sflag:s31] =	ssyncadd.s32 $0xFFFFD800  }
0x67: {  	[spmem:s1] =	stream.indirect.scatter.add.f32 [tilespmem:s29], [sflag:$0x5], $0x80, s0, s26, $0xb8;
	[tilespmem:$0x1D100] =	vst v63  }
0x68: {  	s8 =	simm.s32 $0x280;
	_ =	swait.ge [sflag:s22], $0x2800  }
.LBB2_4:
0x69: {  	p0 =	sne.s32 s8, $0x3D80;
	[sflag:s22] =	ssyncset.done $0x0;
	s0 =	sadd.s32 $0x100, s0  }
0x6a: {  	s9 =	smov.u32 s8;
	s8 =	sadd.s32 $0x100, s8;
	[sflag:s22] =	ssyncadd.s32 $0xFFFFD800  }
0x6b: {  	s10 =	sadd.s32 $0xFFFFFF80, s9;
	_ =	swait.ge [sflag:s28], $0x80  }
0x6c: {  	s11 =	sand.u32 $0x7C00, s10;
	s10 =	sand.u32 $0x300, s10;
	[sflag:s28] =	ssyncset.done $0x0  }
0x6d: {  	s11 =	sadd.s32 s5, s11;
	[sflag:s28] =	ssyncadd.s32 $0xFFFFFF80  }
0x6e: {  	[tilespmem:s29], [sflag:$0x2] =	stream.indirect.gather [hbm4b:s4+s26], $0x80, s24, s26, $0xb8;
	[tilespmem:$0x1D100] =	vst v63  }
0x6f: {  	s10 =	sor.u32 s10, s11;
	_ =	swait.ge [sflag:s30], $0x2800  }
0x70: {  	s10 =	sshrl.u32 s10, $0x3;
	[sflag:s30] =	ssyncset.done $0x0  }
0x71: {  	s11 =	sadd.s32 $0xFFFFFF80, s0;
	s10 =	sadd.s32 s6, s10;
	[sflag:s30] =	ssyncadd.s32 $0xFFFFD800  }
0x72: {  	[tilespmem:s23], [sflag:$0x3] =	stream.linear.gather [hbm4b:s10+s3], $0x80, $0x38;
	[tilespmem:$0x1D100] =	vst v63  }
0x73: {  	_ = 	snop  }
0x74: {  	[spmem:s1] =	stream.indirect.scatter.add.f32 [tilespmem:s21], [sflag:$0x5], $0x80, s11, s26, $0xb8;
	[tilespmem:$0x1D100] =	vst v63  }
0x75: {  	_ =	swait.ge [sflag:s22], $0x2800  }
0x76: {  	[sflag:s22] =	ssyncset.done $0x0  }
0x77: {  	s10 =	sand.u32 $0x7C00, s9;
	[sflag:s22] =	ssyncadd.s32 $0xFFFFD800  }
0x78: {  	s9 =	sand.u32 $0x380, s9;
	s10 =	sadd.s32 s5, s10;
	_ =	swait.ge [sflag:s25], $0x80  }
0x79: {  	s9 =	sor.u32 s9, s10;
	[sflag:s25] =	ssyncset.done $0x0  }
0x7a: {  	s9 =	sshrl.u32 s9, $0x3;
	[sflag:s25] =	ssyncadd.s32 $0xFFFFFF80  }
0x7b: {  	[tilespmem:s21], [sflag:$0x1] =	stream.indirect.gather [hbm4b:s4+s26], $0x80, s23, s26, $0xb8;
	[tilespmem:$0x1D100] =	vst v63  }
0x7c: {  	s9 =	sadd.s32 s6, s9  }
0x7d: {  	[tilespmem:s24], [sflag:$0x4] =	stream.linear.gather [hbm4b:s9+s3], $0x80, $0x38;
	[tilespmem:$0x1D100] =	vst v63  }
.Ltmp1:
0x7e: {  	_ =	swait.ge [sflag:s31], $0x2800;
	(pc) =	sbr.rel @p0 .LBB2_4-.Ltmp1, $4  }
0x7f: {  	[sflag:s31] =	ssyncset.done $0x0  }
0x80: {  	[sflag:s31] =	ssyncadd.s32 $0xFFFFD800  }
0x81: {  	[spmem:s1] =	stream.indirect.scatter.add.f32 [tilespmem:s29], [sflag:$0x5], $0x80, s0, s26, $0xb8;
	[tilespmem:$0x1D100] =	vst v63  }
0x82: {  	_ =	swait.ge [sflag:s22], $0x2800  }
0x83: {  	[sflag:s22] =	ssyncset.done $0x0  }
0x84: {  	[sflag:s22] =	ssyncadd.s32 $0xFFFFD800  }
0x85: {  	_ =	swait.ge [sflag:s28], $0x80  }
0x86: {  	[sflag:s28] =	ssyncset.done $0x0  }
0x87: {  	[sflag:s28] =	ssyncadd.s32 $0xFFFFFF80  }
0x88: {  	[tilespmem:s29], [sflag:$0x2] =	stream.indirect.gather [hbm4b:s4+s26], $0x80, s24, s26, $0xb8;
	[tilespmem:$0x1D100] =	vst v63  }
0x89: {  	_ =	swait.ge [sflag:s30], $0x2800  }
0x8a: {  	[sflag:s30] =	ssyncset.done $0x0  }
0x8b: {  	[sflag:s30] =	ssyncadd.s32 $0xFFFFD800  }
0x8c: {  	[tilespmem:s23], [sflag:$0x3] =	stream.linear.gather [hbm4b:s20+s3], $0x80, $0x38;
	[tilespmem:$0x1D100] =	vst v63  }
0x8d: {  	s0 =	simm.s32 $0x3D00  }
0x8e: {  	[spmem:s1] =	stream.indirect.scatter.add.f32 [tilespmem:s21], [sflag:$0x5], $0x80, s0, s26, $0xb8;
	[tilespmem:$0x1D100] =	vst v63  }
0x8f: {  	_ =	swait.ge [sflag:s22], $0x2800  }
0x90: {  	[sflag:s22] =	ssyncset.done $0x0  }
0x91: {  	[sflag:s22] =	ssyncadd.s32 $0xFFFFD800  }
0x92: {  	_ =	swait.ge [sflag:s25], $0x80  }
0x93: {  	[sflag:s25] =	ssyncset.done $0x0  }
0x94: {  	[sflag:s25] =	ssyncadd.s32 $0xFFFFFF80  }
0x95: {  	[tilespmem:s21], [sflag:$0x1] =	stream.indirect.gather [hbm4b:s4+s26], $0x80, s23, s26, $0xb8;
	[tilespmem:$0x1D100] =	vst v63  }
0x96: {  	_ =	swait.ge [sflag:s31], $0x2800  }
0x97: {  	[sflag:s31] =	ssyncset.done $0x0  }
0x98: {  	s9 =	simm.s32 $0x3D80;
	[sflag:s31] =	ssyncadd.s32 $0xFFFFD800  }
0x99: {  	[spmem:s1] =	stream.indirect.scatter.add.f32 [tilespmem:s29], [sflag:$0x5], $0x80, s9, s26, $0xb8;
	[tilespmem:$0x1D100] =	vst v63  }
0x9a: {  	_ =	swait.ge [sflag:s22], $0x2800  }
0x9b: {  	[sflag:s22] =	ssyncset.done $0x0  }
0x9c: {  	[sflag:s22] =	ssyncadd.s32 $0xFFFFD800  }
0x9d: {  	_ =	swait.ge [sflag:s30], $0x2800  }
0x9e: {  	[sflag:s30] =	ssyncset.done $0x0  }
0x9f: {  	s10 =	simm.s32 $0x3E00;
	[sflag:s30] =	ssyncadd.s32 $0xFFFFD800  }
0xa0: {  	[spmem:s1] =	stream.indirect.scatter.add.f32 [tilespmem:s21], [sflag:$0x5], $0x80, s10, s26, $0xb8;
	[tilespmem:$0x1D100] =	vst v63  }
0xa1: {  	s11 =	stileid.u32;
	_ =	swait.ge [sflag:s22], $0x2800  }
0xa2: {  	s8 =	sshrl.u32 s7, $0x3;
	s2 =	sadd.s32 $0x1, s2;
	[sflag:s22] =	ssyncset.done $0x0  }
0xa3: {  	p0 =	sne.s32 s2, s19;
	s0 =	sshll.u32 s11, $0x6;
	[sflag:s22] =	ssyncadd.s32 $0xFFFFD800  }
.Ltmp2:
0xa4: {  	s0 =	sor.u32 $0x1C05, s0;
	[bflag:$0x0] =	sbarrier.arrive $0xFFFF;
	(pc) =	sbr.rel @p0 .LBB2_1-.Ltmp2, $4  }
0xa5: {  	[hbm:s18], [sflag:s0] =	dma.local [spmem:s8], $0x2800  }
0xa6: {  	_ =	swait.ge [sflag:s22], $0x2800  }
0xa7: {  	[sflag:s22] =	ssyncset.done $0x0  }
0xa8: {  	[sflag:s22] =	ssyncadd.s32 $0xFFFFD800  }
0xa9: {  	_ =	sfence.sel $0x180000  }
0xaa: {  	[bflag:$0x0] =	sbarrier.arrive $0xFFFF  }
0xab: {  	_ =	strace $0x9000004D  }
0xac: {  	s0 =	stileid.u32;
	[bflag:$0x2] =	sbarrier.arrive $0xFFFF  }
0xad: {  	p0 =	sne.s32 s0, $0x0;
	s0 =	rddreg [dreg:$0x2]  }
0xae: {  	s0 =	sadd.s32 @!p0 $0x100000, s0  }
0xaf: {  	[sflag:s0] =	ssyncadd.tile.s32 @!p0 $0x1;
	_ =	shalt  }
.Lfunc_end2:
_tile_overlayer_lowered:
.L_overlay_start_2:
0xb0: {  	(tag) =	ssettag $0x2  }
0xb1: {  	s0 =	rddreg [dreg:$0x0];
	s2 =	stileid.u32  }
0xb2: {  	s1 =	rddreg [dreg:$0x1];
	p0 =	sne.s32 s2, $0x0  }
0xb3: {  	s3 =	rddreg [dreg:$0x2];
	[bflag:$0x3] =	sbarrier.arrive $0xFFFF;
	s2 =	simm.s32 @!p0 $0x1C05  }
0xb4: {  	[timem:s3], [sflag:s2] =	dma.local @!p0 [hbm:s0], s1  }
0xb5: {  	s0 =	simm.s32 @!p0 $0x5  }
0xb6: {  	_ =	swait.ge @!p0 [sflag:s0], s1  }
0xb7: {  	s1 =	ssub.s32 @!p0 $0x0, s1;
	[sflag:s0] =	ssyncset.done @!p0 $0x0  }
0xb8: {  	[sflag:s0] =	ssyncadd.s32 @!p0 s1  }
0xb9: {  	[bflag:$0x3] =	sbarrier.arrive $0xFFFF  }
0xba: {  	_ =	shalt  }

// kernel: kernel.8.cloned.1.call-start
scs
__scs_entry_jumppad:
0x0: {  	(pc) =	sbr.rel $0x88, $3  }
0x1: {  	(tag) =	ssettag $0x0;
	lr =	simm.s32 $0x1  }
0x2: {  	[smem:$0x3F95] =	sst lr;
	_ =	strace $0xD0000000  }
0x3: {  	_ = 	snop  }
0x4: {  	_ = 	snop  }
0x5: {  	_ = 	snop  }
0x6: {  	_ = 	snop  }
0x7: {  	_ = 	snop  }
__scs_overlays_trampoline_lowered:
0x8: {  	[smem:$0x3FA4] =	sst s0  }
0x9: {  	[smem:$0x3FA5] =	sst s1  }
0xa: {  	[smem:$0x3FA6] =	sst s2  }
0xb: {  	[smem:$0x3FA7] =	sst s3  }
0xc: {  	[smem:$0x3FA8] =	sst s4  }
0xd: {  	[smem:$0x3FA9] =	sst s5  }
0xe: {  	[smem:$0x3FAA] =	sst s6  }
0xf: {  	[smem:$0x3FAB] =	sst s7  }
0x10: {  	[smem:$0x3FAC] =	sst s8  }
0x11: {  	[smem:$0x3FAD] =	sst s9;
	s0 =	simm.s32 @!p0 $0x0  }
0x12: {  	s1 =	sld [smem:$0x3F93];
	s0 =	simm.s32 @p0 $0x1  }
0x13: {  	[smem:$0x3FAE] =	sst s0;
	s0 =	simm.s32 @!p1 $0x0  }
0x14: {  	s2 =	sld [smem:$0x3F92];
	s0 =	simm.s32 @p1 $0x1  }
0x15: {  	[smem:$0x3FAF] =	sst s0;
	s0 =	simm.s32 @!p2 $0x0  }
0x16: {  	s3 =	sld [smem:$0x3FDB];
	s0 =	simm.s32 @p2 $0x1  }
0x17: {  	s4 =	simm.s32 $0x1BF5;
	[smem:$0x3FB1] =	sst s0  }
0x18: {  	s0 =	sld [smem:$0x3F94];
	_ =	swait.ge [sflag:s4], $0x0  }
0x19: {  	s7 =	sld [smem:$0x3F95]  }
0x1a: {  	s8 =	sadd.s32 $0xFFFFE003, lr  }
0x1b: {  	s9 =	sadd.s32 $0xFFFFFEF7, lr;
	s5 =	simm.s32 $0xFFFFFFFF;
	p2 =	slt.u32 s8, $0xFFFFF086  }
0x1c: {  	p1 =	slt.u32 s9, $0xF7A;
	s5 =	simm.s32 @!p2 $0x0  }
0x1d: {  	s5 =	simm.s32 @p1 $0x1;
	p0 =	seq.s32 s7, s2  }
0x1e: {  	s7 =	smul.u32 @!p0 $0xF7A, s2;
	p2 =	seq.s32 @!p0 s5, $0x0  }
0x1f: {  	s9 =	smul.u32 $0xF7A, s1;
	s8 =	simm.s32 @!p0 $0x1BF5;
	p2 =	por !p2, p0  }
0x20: {  	[sflag:s8] =	ssyncset.s32 @!p0 $0xFFFFF086;
	s6 =	sadd.s32 @!p0 s3, s7;
	s7 =	simm.s32 @!p0 $0x108  }
0x21: {  	s3 =	sadd.s32 s3, s9;
	s6 =	sadd.s32 @!p0 $0x88, s6;
	s7 =	simm.s32 @p2 $0x1082  }
0x22: {  	[simem:s7], [sflag:s8] =	dma.local @!p0 [hbm:s6], $0xF7A  }
0x23: {  	s9 =	sor.u32 $0xD0000000, s2;
	s6 =	simm.s32 $0x108;
	_ =	swait.ge @!p0 [sflag:s8], $0x0  }
0x24: {  	s3 =	sadd.s32 $0x88, s3;
	s6 =	simm.s32 @!p1 $0x1082;
	[sflag:s4] =	ssyncset.s32 $0xFFFFF086  }
0x25: {  	[simem:s6], [sflag:s4] =	dma.local [hbm:s3], $0xF7A  }
0x26: {  	[smem:$0x3F95] =	sst s1;
	(tag) =	ssettag s2;
	_ =	strace s9  }
0x27: {  	s1 =	sld [smem:$0x3FA5]  }
0x28: {  	s2 =	sld [smem:$0x3FA6]  }
0x29: {  	s4 =	sld [smem:$0x3FA8]  }
0x2a: {  	p0 =	seq.s32 s5, $0x0;
	s5 =	sld [smem:$0x3FA9]  }
0x2b: {  	s6 =	sld [smem:$0x3FAA]  }
0x2c: {  	s7 =	sld [smem:$0x3FAB]  }
0x2d: {  	s3 =	simm.s32 $0x108;
	s8 =	sld [smem:$0x3FAC]  }
0x2e: {  	s3 =	simm.s32 @!p0 $0x1082;
	s9 =	sld [smem:$0x3FAD]  }
0x2f: {  	lr =	sadd.s32 s0, s3;
	s0 =	sld [smem:$0x3FA4]  }
0x30: {  	s3 =	sld [smem:$0x3FA7]  }
0x31: {  	[smem:$0x3FB0] =	sst s10  }
0x32: {  	s10 =	sld [smem:$0x3FAE];
	_ =	sdelay $0x3  }
0x33: {  	p0 =	seq.s32 s10, $0x1;
	s10 =	sld [smem:$0x3FB0];
	_ =	sdelay $0x3  }
0x34: {  	[smem:$0x3FB0] =	sst s10  }
0x35: {  	s10 =	sld [smem:$0x3FAF];
	_ =	sdelay $0x3  }
0x36: {  	p1 =	seq.s32 s10, $0x1;
	s10 =	sld [smem:$0x3FB0];
	_ =	sdelay $0x3  }
0x37: {  	[smem:$0x3FB0] =	sst s10  }
0x38: {  	s10 =	sld [smem:$0x3FB1]  }
0x39: {  	_ = 	snop;
	(pc) =	sbr.ind lr, $3  }
0x3a: {  	_ = 	snop  }
0x3b: {  	_ = 	snop  }
0x3c: {  	p2 =	seq.s32 s10, $0x1;
	s10 =	sld [smem:$0x3FB0]  }
0x3d: {  	_ =	shalt  }
0x3e: {  	_ =	shalt  }
0x3f: {  	_ =	shalt  }
0x40: {  	_ =	shalt  }
0x41: {  	_ =	shalt  }
0x42: {  	_ =	shalt  }
0x43: {  	_ =	shalt  }
0x44: {  	_ =	shalt  }
0x45: {  	_ =	shalt  }
0x46: {  	_ =	shalt  }
0x47: {  	_ =	shalt  }
0x48: {  	_ =	shalt  }
0x49: {  	_ =	shalt  }
0x4a: {  	_ =	shalt  }
0x4b: {  	_ =	shalt  }
0x4c: {  	_ =	shalt  }
0x4d: {  	_ =	shalt  }
0x4e: {  	_ =	shalt  }
0x4f: {  	_ =	shalt  }
0x50: {  	_ =	shalt  }
0x51: {  	_ =	shalt  }
0x52: {  	_ =	shalt  }
0x53: {  	_ =	shalt  }
0x54: {  	_ =	shalt  }
0x55: {  	_ =	shalt  }
0x56: {  	_ =	shalt  }
0x57: {  	_ =	shalt  }
0x58: {  	_ =	shalt  }
0x59: {  	_ =	shalt  }
0x5a: {  	_ =	shalt  }
0x5b: {  	_ =	shalt  }
0x5c: {  	_ =	shalt  }
0x5d: {  	_ =	shalt  }
0x5e: {  	_ =	shalt  }
0x5f: {  	_ =	shalt  }
0x60: {  	_ =	shalt  }
0x61: {  	_ =	shalt  }
0x62: {  	_ =	shalt  }
0x63: {  	_ =	shalt  }
0x64: {  	_ =	shalt  }
0x65: {  	_ =	shalt  }
0x66: {  	_ =	shalt  }
0x67: {  	_ =	shalt  }
0x68: {  	_ =	shalt  }
0x69: {  	_ =	shalt  }
0x6a: {  	_ =	shalt  }
0x6b: {  	_ =	shalt  }
0x6c: {  	_ =	shalt  }
0x6d: {  	_ =	shalt  }
0x6e: {  	_ =	shalt  }
0x6f: {  	_ =	shalt  }
0x70: {  	_ =	shalt  }
0x71: {  	_ =	shalt  }
0x72: {  	_ =	shalt  }
0x73: {  	_ =	shalt  }
0x74: {  	_ =	shalt  }
0x75: {  	_ =	shalt  }
0x76: {  	_ =	shalt  }
0x77: {  	_ =	shalt  }
0x78: {  	_ =	shalt  }
0x79: {  	_ =	shalt  }
0x7a: {  	_ =	shalt  }
0x7b: {  	_ =	shalt  }
0x7c: {  	_ =	shalt  }
0x7d: {  	_ =	shalt  }
0x7e: {  	_ =	shalt  }
0x7f: {  	_ =	shalt  }
0x80: {  	_ =	shalt  }
0x81: {  	_ =	shalt  }
0x82: {  	_ =	shalt  }
0x83: {  	_ =	shalt  }
0x84: {  	_ =	shalt  }
0x85: {  	_ =	shalt  }
0x86: {  	_ =	shalt  }
0x87: {  	_ =	shalt  }
.Lfunc_end0:
.L_simem_size_0:
called_computation_lowered:
.L_overlay_start_0:
0x88: {  	s2 =	sld [smem:$0x3FD9]  }
0x89: {  	s3 =	sld [smem:$0x3FFE];
	_ =	sdelay $0x1  }
0x8a: {  	s1 =	srdreg.scid  }
0x8b: {  	s0 =	sand.u32 $0x1, s1  }
0x8c: {  	s17 =	sshll.u32 s0, $0xA;
	s2 =	sadd.s32 s3, s2  }
0x8d: {  	s2 =	sadd.s32 s2, s17  }
0x8e: {  	[smem:$0x3FBC] =	sst s2  }
0x8f: {  	_ = 	snop  }
0x90: {  	s2 =	sld [smem:$0x3FD0];
	(tm) =	ssettm $0x1  }
0x91: {  	s18 =	sld [smem:$0x3FFB];
	_ =	sdelay $0x3  }
0x92: {  	_ =	strace s18  }
0x93: {  	s3 =	sld [smem:$0x3FFC];
	_ =	sdelay $0x3  }
0x94: {  	_ =	strace s3  }
0x95: {  	s3 =	sld [smem:$0x3FFD];
	_ =	sdelay $0x3  }
0x96: {  	_ =	strace s3  }
0x97: {  	_ =	strace $0x8FFFFFFF  }
0x98: {  	s19 =	sld [smem:$0x3FDB];
	_ =	sdelay $0x1  }
0x99: {  	s4 =	simm.s32 $_scs_section_size  }
0x9a: {  	s5 =	simm.s32 $_size__tile_overlayer_lowered;
	s6 =	simm.s32 $_tile_overlayer_lowered  }
0x9b: {  	s22 =	simm.s32 $0x1BFF;
	s21 =	sshll.u32 s6, $0x1;
	s3 =	sadd.s32 s4, s19  }
0x9c: {  	s7 =	simm.s32 $0x0;
	s20 =	sshll.u32 s5, $0x1;
	s5 =	sadd.s32 s21, s3  }
0x9d: {  	[timem:s7], [sflag:s22] =	dma.local [hbm:s5], s20  }
0x9e: {  	_ =	swait.ge [sflag:s22], s20  }
0x9f: {  	s4 =	ssub.s32 $0x0, s20;
	[sflag:s22] =	ssyncset.done $0x0  }
0xa0: {  	[sflag:s22] =	ssyncadd.s32 s4;
	_ =	sdelay $0x1  }
0xa1: {  	s23 =	simm.s32 $0x1B8B  }
0xa2: {  	_ =	swait.ge [sflag:s23], $0x1  }
0xa3: {  	[sflag:s23] =	ssyncset.done $0x0  }
0xa4: {  	s25 =	simm.s32 $0x1B8E;
	s24 =	sld [smem:$0x3FFE];
	[sflag:s23] =	ssyncadd.s32 $0xFFFFFFFF  }
0xa5: {  	s26 =	simm.s32 $execute0_lowered;
	[smem:$0x3FD2] =	sst s25  }
0xa6: {  	s5 =	sshll.u32 s26, $0x1;
	_ =	strace $0x80000046;
	[dreg:$0x1] =	wrdreg $0xFFFFFFFF  }
0xa7: {  	s28 =	simm.s32 $_size_execute0_lowered;
	s3 =	sadd.s32 s3, s5;
	[dreg:$0x0] =	wrdreg $0x0  }
0xa8: {  	s5 =	sshll.u32 s28, $0x1;
	[dreg:$0x2] =	wrdreg s3  }
0xa9: {  	[dreg:$0x3] =	wrdreg s5  }
0xaa: {  	[dreg:$0x4] =	wrdreg $0xC0  }
0xab: {  	_ =	task [dreg:s7], $0x5FFFF  }
0xac: {  	[dreg:$0x1] =	wrdreg $0xFFFFFFFF  }
0xad: {  	[dreg:$0x0] =	wrdreg $0x60  }
0xae: {  	[dreg:$0x2] =	wrdreg s24  }
0xaf: {  	[dreg:$0x3] =	wrdreg s2  }
0xb0: {  	[dreg:$0x4] =	wrdreg $0x40800  }
0xb1: {  	[dreg:$0x5] =	wrdreg $0x9  }
0xb2: {  	_ =	task.clear_ibuf [dreg:s7], $0x6FFFF;
	_ =	strace $0x90000046  }
0xb3: {  	s29 =	simm.s32 $0x9;
	_ =	strace $0x80000048  }
0xb4: {  	_ =	swait.ge [sflag:s29], $0x1  }
0xb5: {  	[sflag:s29] =	ssyncadd.s32 $0xFFFFFFFF  }
0xb6: {  	_ =	strace $0x90000048  }
0xb7: {  	_ =	sfence  }
0xb8: {  	s30 =	sld [smem:$0x0];
	_ =	sdelay $0x2  }
0xb9: {  	s31 =	sshll.u32 s1, $0xD;
	s1 =	sshrl.u32 s1, $0x2  }
0xba: {  	s3 =	sand.u32 $0x4000, s31;
	s1 =	sadd.s32 s1, s30  }
0xbb: {  	s0 =	sor.u32 s3, s0;
	s1 =	sshll.u32 s1, $0x11  }
0xbc: {  	s0 =	sor.u32 s1, s0  }
0xbd: {  	s0 =	sadd.s32 $0x8F2B, s0  }
0xbe: {  	[sflag:s0] =	ssyncadd.remote.s32 $0x1  }
0xbf: {  	_ =	sfence.sel $0xFFFF  }
0xc0: {  	[dreg:$0x0] =	wrdreg $0xFFFFFFFF;
	(pc) =	sbr.abs _section_cstart, $3  }
0xc1: {  	[dreg:$0x1] =	wrdreg $0xFFFFFFFF  }
0xc2: {  	_ =	task.clear_ibuf [dreg:s7], $0x2FFFF;
	_ =	strace $0x9FFFFFFF  }
0xc3: {  	(tm) =	ssettm $0x7FFFFFFF  }
tec
execute0_lowered:
.L_overlay_start_1:
0x0: {  	(tag) =	ssettag $0x1  }
0x1: {  	s5 =	rddreg [dreg:$0x0]  }
0x2: {  	s1 =	rddreg [dreg:$0x1]  }
0x3: {  	s3 =	rddreg [dreg:$0x2]  }
0x4: {  	s0 =	rddreg [dreg:$0x3];
	s4 =	simm.s32 $0x0;
	s2 =	stileid.u32  }
0x5: {  	s7 =	srdreg.scid;
	s13 =	simm.s32 $0x50;
	s14 =	simm.s32 $0x20  }
0x6: {  	s15 =	simm.s32 $0x10;
	s16 =	simm.s32 $0x0;
	[smem:$0x7FF] =	sst s4  }
0x7: {  	s6 =	smul.u32 $0x280, s2;
	s8 =	sshll.u32 s2, $0xB;
	s7 =	sand.u32 $0x1, s7  }
0x8: {  	s9 =	smul.u32 $0x500, s2;
	s31 =	sshll.u32 s2, $0x6;
	_ =	strace $0x80000047  }
0x9: {  	s8 =	sadd.s32 s8, s5;
	s10 =	sshll.u32 s7, $0x7;
	s28 =	ssub.s32 $0x2, s7  }
0xa: {  	s29 =	sshll.u32 s7, $0xF;
	s11 =	sshrl.u32 s6, $0x3;
	s9 =	sor.u32 s10, s9  }
0xb: {  	s12 =	sshrl.u32 s28, $0x1;
	s30 =	sadd.s32 s6, s3;
	s7 =	sadd.s32 s29, s8  }
0xc: {  	s6 =	sor.u32 $0x1C01, s31;
	s11 =	sadd.s32 s11, s5;
	s9 =	sshrl.u32 s9, $0x3  }
0xd: {  	s10 =	ssub.s32 s28, s12;
	s7 =	sadd.s32 $0x2800, s7;
	s12 =	simm.s32 $0x4000  }
0xe: {  	s9 =	sadd.s32 s9, s5;
	s5 =	sadd.s32 $0x12800, s11;
	s11 =	simm.s32 $0x1  }
0xf: {  	s8 =	sadd.s32 $0x12E00, s9;
	s9 =	smax.u32 s10, $0x1;
	s10 =	sshrl.u32 s30, $0x3  }
.LBB2_1:
0x10: {  	[spmem:s10], [sflag:s6] =	dma.local [hbm:s5], $0x50  }
0x11: {  	_ =	swait.ge [sflag:s11], $0x50  }
0x12: {  	[sflag:s11] =	ssyncset.done $0x0  }
0x13: {  	[sflag:s11] =	ssyncadd.s32 $0xFFFFFFB0  }
0x14: {  	[tilespmem:s4], [sflag:$0x1] =	stream.linear.gather [hbm4b:s7+s4], $0x3E80, $0x38;
	[tilespmem:$0x4300] =	vst v63  }
0x15: {  	_ =	swait.ge [sflag:s11], $0x3E80  }
0x16: {  	[sflag:s11] =	ssyncset.done $0x0  }
0x17: {  	[sflag:s11] =	ssyncadd.s32 $0xFFFFC180  }
0x18: {  	[tilespmem:s12], [sflag:$0x1] =	stream.linear.gather [hbm4b:s1+s4], $0x80, $0x38;
	[tilespmem:$0x4300] =	vst v63  }
0x19: {  	_ =	swait.ge [sflag:s11], $0x80  }
0x1a: {  	[sflag:s11] =	ssyncset.done $0x0  }
0x1b: {  	[sflag:s11] =	ssyncadd.s32 $0xFFFFFF80  }
0x1c: {  	s17 =	simm.s32 $0x0;
	[bflag:$0x0] =	sbarrier.arrive $0xFFFF  }
0x1d: {  	[spmem:s3] =	stream.indirect.scatter.add.f32 [tilespmem:s12], [sflag:$0x1], $0x1, s17, s13, $0xb8;
	[tilespmem:$0x4300] =	vst v63  }
0x1e: {  	_ =	swait.ge [sflag:s11], $0x50  }
0x1f: {  	s17 =	simm.s32 $0x200;
	[sflag:s11] =	ssyncset.done $0x0  }
.LBB2_2:
0x20: {  	s18 =	sshra.s32 s17, $0x2;
	[sflag:s11] =	ssyncadd.s32 $0xFFFFFFB0;
	p0 =	sne.s32 s17, $0xF800  }
0x21: {  	[spmem:s3] =	stream.indirect.scatter.add.f32 [tilespmem:s12], [sflag:$0x1], $0x1, s18, s13, $0xb8;
	[tilespmem:$0x4300] =	vst v63  }
.Ltmp0:
0x22: {  	_ = 	snop;
	(pc) =	sbr.rel @p0 .LBB2_2-.Ltmp0, $4  }
0x23: {  	_ = 	snop  }
0x24: {  	s17 =	sadd.s32 $0x200, s17  }
0x25: {  	_ =	swait.ge [sflag:s11], $0x50  }
0x26: {  	[sflag:s11] =	ssyncset.done $0x0  }
0x27: {  	s16 =	sadd.s32 $0x1, s16  }
0x28: {  	[sflag:s11] =	ssyncadd.s32 $0xFFFFFFB0;
	p0 =	sne.s32 s16, s9  }
.Ltmp1:
0x29: {  	[bflag:$0x0] =	sbarrier.arrive $0xFFFF;
	(pc) =	sbr.rel @p0 .LBB2_1-.Ltmp1, $4  }
0x2a: {  	[hbm:s8@s14], [sflag:s6] =	dma.strided [spmem:s10@s15], $0x50, s11, $0x10   }
0x2b: {  	_ =	swait.ge [sflag:s11], $0x50  }
0x2c: {  	[sflag:s11] =	ssyncset.done $0x0  }
0x2d: {  	[sflag:s11] =	ssyncadd.s32 $0xFFFFFFB0  }
0x2e: {  	_ =	sfence.sel $0x180000  }
0x2f: {  	[bflag:$0x0] =	sbarrier.arrive $0xFFFF  }
0x30: {  	p0 =	sne.s32 s2, $0x0;
	_ =	strace $0x90000047  }
0x31: {  	s0 =	sadd.s32 @!p0 $0x100000, s0;
	[bflag:$0x2] =	sbarrier.arrive $0xFFFF  }
0x32: {  	[sflag:s0] =	ssyncadd.tile.s32 @!p0 $0x1;
	_ =	shalt  }
.Lfunc_end2:
_tile_overlayer_lowered:
.L_overlay_start_2:
0x33: {  	(tag) =	ssettag $0x2  }
0x34: {  	s0 =	rddreg [dreg:$0x0];
	s2 =	stileid.u32  }
0x35: {  	s1 =	rddreg [dreg:$0x1];
	p0 =	sne.s32 s2, $0x0  }
0x36: {  	s3 =	rddreg [dreg:$0x2];
	[bflag:$0x3] =	sbarrier.arrive $0xFFFF;
	s2 =	simm.s32 @!p0 $0x1C01  }
0x37: {  	[timem:s3], [sflag:s2] =	dma.local @!p0 [hbm:s0], s1  }
0x38: {  	s0 =	simm.s32 @!p0 $0x1  }
0x39: {  	_ =	swait.ge @!p0 [sflag:s0], s1  }
0x3a: {  	s1 =	ssub.s32 @!p0 $0x0, s1;
	[sflag:s0] =	ssyncset.done @!p0 $0x0  }
0x3b: {  	[sflag:s0] =	ssyncadd.s32 @!p0 s1  }
0x3c: {  	[bflag:$0x3] =	sbarrier.arrive $0xFFFF  }
0x3d: {  	_ =	shalt  }

</sc_bundles>
